<compile_context>
chip_gen: v7x
topology: tpu7x:2x2x1
jax: 0.10.2.dev20260603
libtpu: 0.0.44.dev20260713+nightly
codegen_flags: <defaults>
</compile_context>

<pallas_src>
import functools

import jax
import jax.numpy as jnp
from jax import lax
from jax.experimental import pallas as pl
from jax.experimental.pallas import tpu as pltpu
from jax.experimental.pallas import tpu_sc as plsc

R = 8192
D = 768
NC = 2
NS = 16
NW = NC * NS
ROWS_PER_W = R // NW
CH = 16
N_CHUNKS = ROWS_PER_W // CH
NBUF = 10
RA = 5


@functools.partial(
    pl.kernel,
    out_type=jax.ShapeDtypeStruct((R, D), jnp.float32),
    mesh=plsc.VectorSubcoreMesh(core_axis_name="c", subcore_axis_name="s"),
    scratch_types=(
        [pltpu.VMEM((16,), jnp.int32),
         pltpu.VMEM((1, D), jnp.float32)]
        + [pltpu.VMEM((CH, D), jnp.float32) for _ in range(NBUF)]
        + [pltpu.SemaphoreType.DMA for _ in range(2 * NBUF + 1)]
    ),
)
def _emb_lookup(t_hbm, w_hbm, out_hbm, tvec_v, rowbuf_v, *bufs_and_sems):
    bufs = bufs_and_sems[:NBUF]
    rsems = bufs_and_sems[NBUF:2 * NBUF]
    wsems = bufs_and_sems[2 * NBUF:3 * NBUF]
    tsem = bufs_and_sems[3 * NBUF]
    wid = lax.axis_index("s") * NC + lax.axis_index("c")
    base = wid * ROWS_PER_W

    reads = [None] * N_CHUNKS
    writes = [None] * N_CHUNKS
    for c in range(min(RA, N_CHUNKS)):
        reads[c] = pltpu.async_copy(
            w_hbm.at[pl.ds(base + c * CH, CH)], bufs[c % NBUF], rsems[c % NBUF])

    tcp = pltpu.async_copy(t_hbm, tvec_v.at[pl.ds(0, 1)], tsem)

    for c in range(N_CHUNKS):
        b = c % NBUF
        reads[c].wait()
        writes[c] = pltpu.async_copy(
            bufs[b], out_hbm.at[pl.ds(base + c * CH, CH)], wsems[b])
        nxt = c + RA
        if nxt < N_CHUNKS:
            nb = nxt % NBUF
            prev = nxt - NBUF
            if prev >= 0:
                writes[prev].wait()
            reads[nxt] = pltpu.async_copy(
                w_hbm.at[pl.ds(base + nxt * CH, CH)], bufs[nb], rsems[nb])
    for c in range(max(0, N_CHUNKS - NBUF), N_CHUNKS):
        writes[c].wait()

    tcp.wait()
    t = tvec_v[...][0]
    tl = jnp.clip(t, 1, R)

    start = jnp.maximum(tl, base)

    @pl.when(start < base + ROWS_PER_W)
    def _patch():
        pltpu.sync_copy(w_hbm.at[pl.ds(tl - 1, 1)], rowbuf_v)

        def _fix(i, carry):
            pltpu.sync_copy(rowbuf_v, out_hbm.at[pl.ds(i, 1)])
            return carry

        lax.fori_loop(start, base + ROWS_PER_W, _fix, 0)


def kernel(T, weight):
    t_arr = jnp.asarray(T, jnp.int32).reshape(1)
    return _emb_lookup(t_arr, weight)

# --- scband reference (transcript-rebuilt; emitter-appended) ---
"""Pipeline reference for scband-positional-embedding-46239617909406 (READ-ONLY COPY).

The authoritative reference and input builder live on the scoring server;
editing this copy changes nothing except your own understanding.
"""

import jax, jax.numpy as jnp
import numpy as np

BLOCK_SIZE = 8192
N_EMBD = 768


def setup_inputs(seed: int = 0) -> dict:
    key = jax.random.key(seed)
    # Learned positional embedding table, sized per init_kwargs (block_size, n_embd).
    # nn.Embedding default init is N(0, 1).
    weight = jax.random.normal(key, (BLOCK_SIZE, N_EMBD), dtype=jnp.float32)
    T = 8192  # scalar int forward arg
    return {"T": T, "weight": weight}


def reference(T, weight):
    # pos = arange(T); return embedding lookup weight[pos]
    pos = jnp.arange(weight.shape[0], dtype=jnp.int32)
    pos = jnp.minimum(pos, jnp.asarray(T, dtype=jnp.int32) - 1)
    return jnp.take(weight, pos, axis=0)

if __name__ == "__main__":
    import jax
    _d = setup_inputs()
    print(jax.jit(kernel)(*tuple(_d.values())))

</pallas_src>

<mosaic_0001>
#map = affine_map<(d0, d1) -> (0)>
#map1 = affine_map<(d0, d1) -> (0, 0)>
module attributes {stable_mosaic.version = 14 : i64} {
  func.func @_emb_lookup(%arg0: i32, %arg1: i32, %arg2: memref<1xi32, #tpu.memory_space<hbm>>, %arg3: memref<8192x768xf32, #tpu.memory_space<hbm>>, %arg4: memref<8192x768xf32, #tpu.memory_space<hbm>>, %arg5: memref<16xi32, #tpu.memory_space<vmem>>, %arg6: memref<1x768xf32, #tpu.memory_space<vmem>>, %arg7: memref<16x768xf32, #tpu.memory_space<vmem>>, %arg8: memref<16x768xf32, #tpu.memory_space<vmem>>, %arg9: memref<16x768xf32, #tpu.memory_space<vmem>>, %arg10: memref<16x768xf32, #tpu.memory_space<vmem>>, %arg11: memref<16x768xf32, #tpu.memory_space<vmem>>, %arg12: memref<16x768xf32, #tpu.memory_space<vmem>>, %arg13: memref<16x768xf32, #tpu.memory_space<vmem>>, %arg14: memref<16x768xf32, #tpu.memory_space<vmem>>, %arg15: memref<16x768xf32, #tpu.memory_space<vmem>>, %arg16: memref<16x768xf32, #tpu.memory_space<vmem>>, %arg17: memref<!tpu.dma_semaphore, #tpu.memory_space<semaphore_mem>>, %arg18: memref<!tpu.dma_semaphore, #tpu.memory_space<semaphore_mem>>, %arg19: memref<!tpu.dma_semaphore, #tpu.memory_space<semaphore_mem>>, %arg20: memref<!tpu.dma_semaphore, #tpu.memory_space<semaphore_mem>>, %arg21: memref<!tpu.dma_semaphore, #tpu.memory_space<semaphore_mem>>, %arg22: memref<!tpu.dma_semaphore, #tpu.memory_space<semaphore_mem>>, %arg23: memref<!tpu.dma_semaphore, #tpu.memory_space<semaphore_mem>>, %arg24: memref<!tpu.dma_semaphore, #tpu.memory_space<semaphore_mem>>, %arg25: memref<!tpu.dma_semaphore, #tpu.memory_space<semaphore_mem>>, %arg26: memref<!tpu.dma_semaphore, #tpu.memory_space<semaphore_mem>>, %arg27: memref<!tpu.dma_semaphore, #tpu.memory_space<semaphore_mem>>, %arg28: memref<!tpu.dma_semaphore, #tpu.memory_space<semaphore_mem>>, %arg29: memref<!tpu.dma_semaphore, #tpu.memory_space<semaphore_mem>>, %arg30: memref<!tpu.dma_semaphore, #tpu.memory_space<semaphore_mem>>, %arg31: memref<!tpu.dma_semaphore, #tpu.memory_space<semaphore_mem>>, %arg32: memref<!tpu.dma_semaphore, #tpu.memory_space<semaphore_mem>>, %arg33: memref<!tpu.dma_semaphore, #tpu.memory_space<semaphore_mem>>, %arg34: memref<!tpu.dma_semaphore, #tpu.memory_space<semaphore_mem>>, %arg35: memref<!tpu.dma_semaphore, #tpu.memory_space<semaphore_mem>>, %arg36: memref<!tpu.dma_semaphore, #tpu.memory_space<semaphore_mem>>, %arg37: memref<!tpu.dma_semaphore, #tpu.memory_space<semaphore_mem>>) attributes {dimension_semantics = [#tpu.dimension_semantics<core_parallel>, #tpu.dimension_semantics<subcore_parallel>], iteration_bounds = array<i64: 2, 16>, scalar_prefetch = 0 : i64, scratch_operands = 33 : i64, tpu.core_type = #tpu.core_type<sc_vector_subcore>, window_params = [{transform_indices = #map}, {transform_indices = #map1}, {transform_indices = #map1}]} {
    %mul3A = arith.constant 2 : i32
    %mul3A_0 = arith.muli %arg1, %mul3A : i32
    %add3A = arith.addi %mul3A_0, %arg0 : i32
    %mul3A_1 = arith.constant 256 : i32
    %mul3A_2 = arith.muli %add3A, %mul3A_1 : i32
    %add3A_3 = arith.constant 0 : i32
    %add3A_4 = arith.addi %mul3A_2, %add3A_3 : i32
    %dma_start3A = arith.constant 0 : i32
    %dma_start3A_5 = tpu.memref_slice %arg3[%add3A_4, %dma_start3A] : memref<8192x768xf32, #tpu.memory_space<hbm>> -> memref<16x768xf32, #tpu.memory_space<hbm>>
    %dma_start3A_6 = arith.constant 0 : i32
    %dma_start3A_7 = tpu.memref_slice %arg3[%add3A_4, %dma_start3A_6] : memref<8192x768xf32, #tpu.memory_space<hbm>> -> memref<16x768xf32, #tpu.memory_space<hbm>>
    tpu.enqueue_dma source(%dma_start3A_7 : memref<16x768xf32, #tpu.memory_space<hbm>>) target(%arg7 : memref<16x768xf32, #tpu.memory_space<vmem>>) target_semaphore(%arg17 : memref<!tpu.dma_semaphore, #tpu.memory_space<semaphore_mem>>)
    %add3A_8 = arith.constant 16 : i32
    %add3A_9 = arith.addi %mul3A_2, %add3A_8 : i32
    %dma_start3A_10 = arith.constant 0 : i32
    %dma_start3A_11 = tpu.memref_slice %arg3[%add3A_9, %dma_start3A_10] : memref<8192x768xf32, #tpu.memory_space<hbm>> -> memref<16x768xf32, #tpu.memory_space<hbm>>
    %dma_start3A_12 = arith.constant 0 : i32
    %dma_start3A_13 = tpu.memref_slice %arg3[%add3A_9, %dma_start3A_12] : memref<8192x768xf32, #tpu.memory_space<hbm>> -> memref<16x768xf32, #tpu.memory_space<hbm>>
    tpu.enqueue_dma source(%dma_start3A_13 : memref<16x768xf32, #tpu.memory_space<hbm>>) target(%arg8 : memref<16x768xf32, #tpu.memory_space<vmem>>) target_semaphore(%arg18 : memref<!tpu.dma_semaphore, #tpu.memory_space<semaphore_mem>>)
    %add3A_14 = arith.constant 32 : i32
    %add3A_15 = arith.addi %mul3A_2, %add3A_14 : i32
    %dma_start3A_16 = arith.constant 0 : i32
    %dma_start3A_17 = tpu.memref_slice %arg3[%add3A_15, %dma_start3A_16] : memref<8192x768xf32, #tpu.memory_space<hbm>> -> memref<16x768xf32, #tpu.memory_space<hbm>>
    %dma_start3A_18 = arith.constant 0 : i32
    %dma_start3A_19 = tpu.memref_slice %arg3[%add3A_15, %dma_start3A_18] : memref<8192x768xf32, #tpu.memory_space<hbm>> -> memref<16x768xf32, #tpu.memory_space<hbm>>
    tpu.enqueue_dma source(%dma_start3A_19 : memref<16x768xf32, #tpu.memory_space<hbm>>) target(%arg9 : memref<16x768xf32, #tpu.memory_space<vmem>>) target_semaphore(%arg19 : memref<!tpu.dma_semaphore, #tpu.memory_space<semaphore_mem>>)
    %add3A_20 = arith.constant 48 : i32
    %add3A_21 = arith.addi %mul3A_2, %add3A_20 : i32
    %dma_start3A_22 = arith.constant 0 : i32
    %dma_start3A_23 = tpu.memref_slice %arg3[%add3A_21, %dma_start3A_22] : memref<8192x768xf32, #tpu.memory_space<hbm>> -> memref<16x768xf32, #tpu.memory_space<hbm>>
    %dma_start3A_24 = arith.constant 0 : i32
    %dma_start3A_25 = tpu.memref_slice %arg3[%add3A_21, %dma_start3A_24] : memref<8192x768xf32, #tpu.memory_space<hbm>> -> memref<16x768xf32, #tpu.memory_space<hbm>>
    tpu.enqueue_dma source(%dma_start3A_25 : memref<16x768xf32, #tpu.memory_space<hbm>>) target(%arg10 : memref<16x768xf32, #tpu.memory_space<vmem>>) target_semaphore(%arg20 : memref<!tpu.dma_semaphore, #tpu.memory_space<semaphore_mem>>)
    %add3A_26 = arith.constant 64 : i32
    %add3A_27 = arith.addi %mul3A_2, %add3A_26 : i32
    %dma_start3A_28 = arith.constant 0 : i32
    %dma_start3A_29 = tpu.memref_slice %arg3[%add3A_27, %dma_start3A_28] : memref<8192x768xf32, #tpu.memory_space<hbm>> -> memref<16x768xf32, #tpu.memory_space<hbm>>
    %dma_start3A_30 = arith.constant 0 : i32
    %dma_start3A_31 = tpu.memref_slice %arg3[%add3A_27, %dma_start3A_30] : memref<8192x768xf32, #tpu.memory_space<hbm>> -> memref<16x768xf32, #tpu.memory_space<hbm>>
    tpu.enqueue_dma source(%dma_start3A_31 : memref<16x768xf32, #tpu.memory_space<hbm>>) target(%arg11 : memref<16x768xf32, #tpu.memory_space<vmem>>) target_semaphore(%arg21 : memref<!tpu.dma_semaphore, #tpu.memory_space<semaphore_mem>>)
    %dma_start3A_32 = arith.constant 0 : i32
    %dma_start3A_33 = tpu.memref_slice %arg5[%dma_start3A_32] : memref<16xi32, #tpu.memory_space<vmem>> -> memref<1xi32, #tpu.memory_space<vmem>>
    %dma_start3A_34 = arith.constant 0 : i32
    %dma_start3A_35 = tpu.memref_slice %arg5[%dma_start3A_34] : memref<16xi32, #tpu.memory_space<vmem>> -> memref<1xi32, #tpu.memory_space<vmem>>
    tpu.enqueue_dma source(%arg2 : memref<1xi32, #tpu.memory_space<hbm>>) target(%dma_start3A_35 : memref<1xi32, #tpu.memory_space<vmem>>) target_semaphore(%arg37 : memref<!tpu.dma_semaphore, #tpu.memory_space<semaphore_mem>>)
    %dma_wait3A = arith.constant 0 : i32
    %dma_wait3A_36 = tpu.memref_slice %arg3[%add3A_4, %dma_wait3A] : memref<8192x768xf32, #tpu.memory_space<hbm>> -> memref<16x768xf32, #tpu.memory_space<hbm>>
    %dma_wait3A_37 = arith.constant 0 : i32
    %dma_wait3A_38 = tpu.memref_slice %arg3[%add3A_4, %dma_wait3A_37] : memref<8192x768xf32, #tpu.memory_space<hbm>> -> memref<16x768xf32, #tpu.memory_space<hbm>>
    tpu.wait_dma2 semaphore(%arg17 : memref<!tpu.dma_semaphore, #tpu.memory_space<semaphore_mem>>) src(%dma_wait3A_38 : memref<16x768xf32, #tpu.memory_space<hbm>>) dst(%arg7 : memref<16x768xf32, #tpu.memory_space<vmem>>)
    %add3A_39 = arith.constant 0 : i32
    %add3A_40 = arith.addi %mul3A_2, %add3A_39 : i32
    %dma_start3A_41 = arith.constant 0 : i32
    %dma_start3A_42 = tpu.memref_slice %arg4[%add3A_40, %dma_start3A_41] : memref<8192x768xf32, #tpu.memory_space<hbm>> -> memref<16x768xf32, #tpu.memory_space<hbm>>
    %dma_start3A_43 = arith.constant 0 : i32
    %dma_start3A_44 = tpu.memref_slice %arg4[%add3A_40, %dma_start3A_43] : memref<8192x768xf32, #tpu.memory_space<hbm>> -> memref<16x768xf32, #tpu.memory_space<hbm>>
    tpu.enqueue_dma source(%arg7 : memref<16x768xf32, #tpu.memory_space<vmem>>) target(%dma_start3A_44 : memref<16x768xf32, #tpu.memory_space<hbm>>) target_semaphore(%arg27 : memref<!tpu.dma_semaphore, #tpu.memory_space<semaphore_mem>>)
    %add3A_45 = arith.constant 80 : i32
    %add3A_46 = arith.addi %mul3A_2, %add3A_45 : i32
    %dma_start3A_47 = arith.constant 0 : i32
    %dma_start3A_48 = tpu.memref_slice %arg3[%add3A_46, %dma_start3A_47] : memref<8192x768xf32, #tpu.memory_space<hbm>> -> memref<16x768xf32, #tpu.memory_space<hbm>>
    %dma_start3A_49 = arith.constant 0 : i32
    %dma_start3A_50 = tpu.memref_slice %arg3[%add3A_46, %dma_start3A_49] : memref<8192x768xf32, #tpu.memory_space<hbm>> -> memref<16x768xf32, #tpu.memory_space<hbm>>
    tpu.enqueue_dma source(%dma_start3A_50 : memref<16x768xf32, #tpu.memory_space<hbm>>) target(%arg12 : memref<16x768xf32, #tpu.memory_space<vmem>>) target_semaphore(%arg22 : memref<!tpu.dma_semaphore, #tpu.memory_space<semaphore_mem>>)
    %dma_wait3A_51 = arith.constant 0 : i32
    %dma_wait3A_52 = tpu.memref_slice %arg3[%add3A_9, %dma_wait3A_51] : memref<8192x768xf32, #tpu.memory_space<hbm>> -> memref<16x768xf32, #tpu.memory_space<hbm>>
    %dma_wait3A_53 = arith.constant 0 : i32
    %dma_wait3A_54 = tpu.memref_slice %arg3[%add3A_9, %dma_wait3A_53] : memref<8192x768xf32, #tpu.memory_space<hbm>> -> memref<16x768xf32, #tpu.memory_space<hbm>>
    tpu.wait_dma2 semaphore(%arg18 : memref<!tpu.dma_semaphore, #tpu.memory_space<semaphore_mem>>) src(%dma_wait3A_54 : memref<16x768xf32, #tpu.memory_space<hbm>>) dst(%arg8 : memref<16x768xf32, #tpu.memory_space<vmem>>)
    %add3A_55 = arith.constant 16 : i32
    %add3A_56 = arith.addi %mul3A_2, %add3A_55 : i32
    %dma_start3A_57 = arith.constant 0 : i32
    %dma_start3A_58 = tpu.memref_slice %arg4[%add3A_56, %dma_start3A_57] : memref<8192x768xf32, #tpu.memory_space<hbm>> -> memref<16x768xf32, #tpu.memory_space<hbm>>
    %dma_start3A_59 = arith.constant 0 : i32
    %dma_start3A_60 = tpu.memref_slice %arg4[%add3A_56, %dma_start3A_59] : memref<8192x768xf32, #tpu.memory_space<hbm>> -> memref<16x768xf32, #tpu.memory_space<hbm>>
    tpu.enqueue_dma source(%arg8 : memref<16x768xf32, #tpu.memory_space<vmem>>) target(%dma_start3A_60 : memref<16x768xf32, #tpu.memory_space<hbm>>) target_semaphore(%arg28 : memref<!tpu.dma_semaphore, #tpu.memory_space<semaphore_mem>>)
    %add3A_61 = arith.constant 96 : i32
    %add3A_62 = arith.addi %mul3A_2, %add3A_61 : i32
    %dma_start3A_63 = arith.constant 0 : i32
    %dma_start3A_64 = tpu.memref_slice %arg3[%add3A_62, %dma_start3A_63] : memref<8192x768xf32, #tpu.memory_space<hbm>> -> memref<16x768xf32, #tpu.memory_space<hbm>>
    %dma_start3A_65 = arith.constant 0 : i32
    %dma_start3A_66 = tpu.memref_slice %arg3[%add3A_62, %dma_start3A_65] : memref<8192x768xf32, #tpu.memory_space<hbm>> -> memref<16x768xf32, #tpu.memory_space<hbm>>
    tpu.enqueue_dma source(%dma_start3A_66 : memref<16x768xf32, #tpu.memory_space<hbm>>) target(%arg13 : memref<16x768xf32, #tpu.memory_space<vmem>>) target_semaphore(%arg23 : memref<!tpu.dma_semaphore, #tpu.memory_space<semaphore_mem>>)
    %dma_wait3A_67 = arith.constant 0 : i32
    %dma_wait3A_68 = tpu.memref_slice %arg3[%add3A_15, %dma_wait3A_67] : memref<8192x768xf32, #tpu.memory_space<hbm>> -> memref<16x768xf32, #tpu.memory_space<hbm>>
    %dma_wait3A_69 = arith.constant 0 : i32
    %dma_wait3A_70 = tpu.memref_slice %arg3[%add3A_15, %dma_wait3A_69] : memref<8192x768xf32, #tpu.memory_space<hbm>> -> memref<16x768xf32, #tpu.memory_space<hbm>>
    tpu.wait_dma2 semaphore(%arg19 : memref<!tpu.dma_semaphore, #tpu.memory_space<semaphore_mem>>) src(%dma_wait3A_70 : memref<16x768xf32, #tpu.memory_space<hbm>>) dst(%arg9 : memref<16x768xf32, #tpu.memory_space<vmem>>)
    %add3A_71 = arith.constant 32 : i32
    %add3A_72 = arith.addi %mul3A_2, %add3A_71 : i32
    %dma_start3A_73 = arith.constant 0 : i32
    %dma_start3A_74 = tpu.memref_slice %arg4[%add3A_72, %dma_start3A_73] : memref<8192x768xf32, #tpu.memory_space<hbm>> -> memref<16x768xf32, #tpu.memory_space<hbm>>
    %dma_start3A_75 = arith.constant 0 : i32
    %dma_start3A_76 = tpu.memref_slice %arg4[%add3A_72, %dma_start3A_75] : memref<8192x768xf32, #tpu.memory_space<hbm>> -> memref<16x768xf32, #tpu.memory_space<hbm>>
    tpu.enqueue_dma source(%arg9 : memref<16x768xf32, #tpu.memory_space<vmem>>) target(%dma_start3A_76 : memref<16x768xf32, #tpu.memory_space<hbm>>) target_semaphore(%arg29 : memref<!tpu.dma_semaphore, #tpu.memory_space<semaphore_mem>>)
    %add3A_77 = arith.constant 112 : i32
    %add3A_78 = arith.addi %mul3A_2, %add3A_77 : i32
    %dma_start3A_79 = arith.constant 0 : i32
    %dma_start3A_80 = tpu.memref_slice %arg3[%add3A_78, %dma_start3A_79] : memref<8192x768xf32, #tpu.memory_space<hbm>> -> memref<16x768xf32, #tpu.memory_space<hbm>>
    %dma_start3A_81 = arith.constant 0 : i32
    %dma_start3A_82 = tpu.memref_slice %arg3[%add3A_78, %dma_start3A_81] : memref<8192x768xf32, #tpu.memory_space<hbm>> -> memref<16x768xf32, #tpu.memory_space<hbm>>
    tpu.enqueue_dma source(%dma_start3A_82 : memref<16x768xf32, #tpu.memory_space<hbm>>) target(%arg14 : memref<16x768xf32, #tpu.memory_space<vmem>>) target_semaphore(%arg24 : memref<!tpu.dma_semaphore, #tpu.memory_space<semaphore_mem>>)
    %dma_wait3A_83 = arith.constant 0 : i32
    %dma_wait3A_84 = tpu.memref_slice %arg3[%add3A_21, %dma_wait3A_83] : memref<8192x768xf32, #tpu.memory_space<hbm>> -> memref<16x768xf32, #tpu.memory_space<hbm>>
    %dma_wait3A_85 = arith.constant 0 : i32
    %dma_wait3A_86 = tpu.memref_slice %arg3[%add3A_21, %dma_wait3A_85] : memref<8192x768xf32, #tpu.memory_space<hbm>> -> memref<16x768xf32, #tpu.memory_space<hbm>>
    tpu.wait_dma2 semaphore(%arg20 : memref<!tpu.dma_semaphore, #tpu.memory_space<semaphore_mem>>) src(%dma_wait3A_86 : memref<16x768xf32, #tpu.memory_space<hbm>>) dst(%arg10 : memref<16x768xf32, #tpu.memory_space<vmem>>)
    %add3A_87 = arith.constant 48 : i32
    %add3A_88 = arith.addi %mul3A_2, %add3A_87 : i32
    %dma_start3A_89 = arith.constant 0 : i32
    %dma_start3A_90 = tpu.memref_slice %arg4[%add3A_88, %dma_start3A_89] : memref<8192x768xf32, #tpu.memory_space<hbm>> -> memref<16x768xf32, #tpu.memory_space<hbm>>
    %dma_start3A_91 = arith.constant 0 : i32
    %dma_start3A_92 = tpu.memref_slice %arg4[%add3A_88, %dma_start3A_91] : memref<8192x768xf32, #tpu.memory_space<hbm>> -> memref<16x768xf32, #tpu.memory_space<hbm>>
    tpu.enqueue_dma source(%arg10 : memref<16x768xf32, #tpu.memory_space<vmem>>) target(%dma_start3A_92 : memref<16x768xf32, #tpu.memory_space<hbm>>) target_semaphore(%arg30 : memref<!tpu.dma_semaphore, #tpu.memory_space<semaphore_mem>>)
    %add3A_93 = arith.constant 128 : i32
    %add3A_94 = arith.addi %mul3A_2, %add3A_93 : i32
    %dma_start3A_95 = arith.constant 0 : i32
    %dma_start3A_96 = tpu.memref_slice %arg3[%add3A_94, %dma_start3A_95] : memref<8192x768xf32, #tpu.memory_space<hbm>> -> memref<16x768xf32, #tpu.memory_space<hbm>>
    %dma_start3A_97 = arith.constant 0 : i32
    %dma_start3A_98 = tpu.memref_slice %arg3[%add3A_94, %dma_start3A_97] : memref<8192x768xf32, #tpu.memory_space<hbm>> -> memref<16x768xf32, #tpu.memory_space<hbm>>
    tpu.enqueue_dma source(%dma_start3A_98 : memref<16x768xf32, #tpu.memory_space<hbm>>) target(%arg15 : memref<16x768xf32, #tpu.memory_space<vmem>>) target_semaphore(%arg25 : memref<!tpu.dma_semaphore, #tpu.memory_space<semaphore_mem>>)
    %dma_wait3A_99 = arith.constant 0 : i32
    %dma_wait3A_100 = tpu.memref_slice %arg3[%add3A_27, %dma_wait3A_99] : memref<8192x768xf32, #tpu.memory_space<hbm>> -> memref<16x768xf32, #tpu.memory_space<hbm>>
    %dma_wait3A_101 = arith.constant 0 : i32
    %dma_wait3A_102 = tpu.memref_slice %arg3[%add3A_27, %dma_wait3A_101] : memref<8192x768xf32, #tpu.memory_space<hbm>> -> memref<16x768xf32, #tpu.memory_space<hbm>>
    tpu.wait_dma2 semaphore(%arg21 : memref<!tpu.dma_semaphore, #tpu.memory_space<semaphore_mem>>) src(%dma_wait3A_102 : memref<16x768xf32, #tpu.memory_space<hbm>>) dst(%arg11 : memref<16x768xf32, #tpu.memory_space<vmem>>)
    %add3A_103 = arith.constant 64 : i32
    %add3A_104 = arith.addi %mul3A_2, %add3A_103 : i32
    %dma_start3A_105 = arith.constant 0 : i32
    %dma_start3A_106 = tpu.memref_slice %arg4[%add3A_104, %dma_start3A_105] : memref<8192x768xf32, #tpu.memory_space<hbm>> -> memref<16x768xf32, #tpu.memory_space<hbm>>
    %dma_start3A_107 = arith.constant 0 : i32
    %dma_start3A_108 = tpu.memref_slice %arg4[%add3A_104, %dma_start3A_107] : memref<8192x768xf32, #tpu.memory_space<hbm>> -> memref<16x768xf32, #tpu.memory_space<hbm>>
    tpu.enqueue_dma source(%arg11 : memref<16x768xf32, #tpu.memory_space<vmem>>) target(%dma_start3A_108 : memref<16x768xf32, #tpu.memory_space<hbm>>) target_semaphore(%arg31 : memref<!tpu.dma_semaphore, #tpu.memory_space<semaphore_mem>>)
    %add3A_109 = arith.constant 144 : i32
    %add3A_110 = arith.addi %mul3A_2, %add3A_109 : i32
    %dma_start3A_111 = arith.constant 0 : i32
    %dma_start3A_112 = tpu.memref_slice %arg3[%add3A_110, %dma_start3A_111] : memref<8192x768xf32, #tpu.memory_space<hbm>> -> memref<16x768xf32, #tpu.memory_space<hbm>>
    %dma_start3A_113 = arith.constant 0 : i32
    %dma_start3A_114 = tpu.memref_slice %arg3[%add3A_110, %dma_start3A_113] : memref<8192x768xf32, #tpu.memory_space<hbm>> -> memref<16x768xf32, #tpu.memory_space<hbm>>
    tpu.enqueue_dma source(%dma_start3A_114 : memref<16x768xf32, #tpu.memory_space<hbm>>) target(%arg16 : memref<16x768xf32, #tpu.memory_space<vmem>>) target_semaphore(%arg26 : memref<!tpu.dma_semaphore, #tpu.memory_space<semaphore_mem>>)
    %dma_wait3A_115 = arith.constant 0 : i32
    %dma_wait3A_116 = tpu.memref_slice %arg3[%add3A_46, %dma_wait3A_115] : memref<8192x768xf32, #tpu.memory_space<hbm>> -> memref<16x768xf32, #tpu.memory_space<hbm>>
    %dma_wait3A_117 = arith.constant 0 : i32
    %dma_wait3A_118 = tpu.memref_slice %arg3[%add3A_46, %dma_wait3A_117] : memref<8192x768xf32, #tpu.memory_space<hbm>> -> memref<16x768xf32, #tpu.memory_space<hbm>>
    tpu.wait_dma2 semaphore(%arg22 : memref<!tpu.dma_semaphore, #tpu.memory_space<semaphore_mem>>) src(%dma_wait3A_118 : memref<16x768xf32, #tpu.memory_space<hbm>>) dst(%arg12 : memref<16x768xf32, #tpu.memory_space<vmem>>)
    %add3A_119 = arith.constant 80 : i32
    %add3A_120 = arith.addi %mul3A_2, %add3A_119 : i32
    %dma_start3A_121 = arith.constant 0 : i32
    %dma_start3A_122 = tpu.memref_slice %arg4[%add3A_120, %dma_start3A_121] : memref<8192x768xf32, #tpu.memory_space<hbm>> -> memref<16x768xf32, #tpu.memory_space<hbm>>
    %dma_start3A_123 = arith.constant 0 : i32
    %dma_start3A_124 = tpu.memref_slice %arg4[%add3A_120, %dma_start3A_123] : memref<8192x768xf32, #tpu.memory_space<hbm>> -> memref<16x768xf32, #tpu.memory_space<hbm>>
    tpu.enqueue_dma source(%arg12 : memref<16x768xf32, #tpu.memory_space<vmem>>) target(%dma_start3A_124 : memref<16x768xf32, #tpu.memory_space<hbm>>) target_semaphore(%arg32 : memref<!tpu.dma_semaphore, #tpu.memory_space<semaphore_mem>>)
    %dma_wait3A_125 = arith.constant 0 : i32
    %dma_wait3A_126 = tpu.memref_slice %arg4[%add3A_40, %dma_wait3A_125] : memref<8192x768xf32, #tpu.memory_space<hbm>> -> memref<16x768xf32, #tpu.memory_space<hbm>>
    %dma_wait3A_127 = arith.constant 0 : i32
    %dma_wait3A_128 = tpu.memref_slice %arg4[%add3A_40, %dma_wait3A_127] : memref<8192x768xf32, #tpu.memory_space<hbm>> -> memref<16x768xf32, #tpu.memory_space<hbm>>
    tpu.wait_dma2 semaphore(%arg27 : memref<!tpu.dma_semaphore, #tpu.memory_space<semaphore_mem>>) src(%arg7 : memref<16x768xf32, #tpu.memory_space<vmem>>) dst(%dma_wait3A_128 : memref<16x768xf32, #tpu.memory_space<hbm>>)
    %add3A_129 = arith.constant 160 : i32
    %add3A_130 = arith.addi %mul3A_2, %add3A_129 : i32
    %dma_start3A_131 = arith.constant 0 : i32
    %dma_start3A_132 = tpu.memref_slice %arg3[%add3A_130, %dma_start3A_131] : memref<8192x768xf32, #tpu.memory_space<hbm>> -> memref<16x768xf32, #tpu.memory_space<hbm>>
    %dma_start3A_133 = arith.constant 0 : i32
    %dma_start3A_134 = tpu.memref_slice %arg3[%add3A_130, %dma_start3A_133] : memref<8192x768xf32, #tpu.memory_space<hbm>> -> memref<16x768xf32, #tpu.memory_space<hbm>>
    tpu.enqueue_dma source(%dma_start3A_134 : memref<16x768xf32, #tpu.memory_space<hbm>>) target(%arg7 : memref<16x768xf32, #tpu.memory_space<vmem>>) target_semaphore(%arg17 : memref<!tpu.dma_semaphore, #tpu.memory_space<semaphore_mem>>)
    %dma_wait3A_135 = arith.constant 0 : i32
    %dma_wait3A_136 = tpu.memref_slice %arg3[%add3A_62, %dma_wait3A_135] : memref<8192x768xf32, #tpu.memory_space<hbm>> -> memref<16x768xf32, #tpu.memory_space<hbm>>
    %dma_wait3A_137 = arith.constant 0 : i32
    %dma_wait3A_138 = tpu.memref_slice %arg3[%add3A_62, %dma_wait3A_137] : memref<8192x768xf32, #tpu.memory_space<hbm>> -> memref<16x768xf32, #tpu.memory_space<hbm>>
    tpu.wait_dma2 semaphore(%arg23 : memref<!tpu.dma_semaphore, #tpu.memory_space<semaphore_mem>>) src(%dma_wait3A_138 : memref<16x768xf32, #tpu.memory_space<hbm>>) dst(%arg13 : memref<16x768xf32, #tpu.memory_space<vmem>>)
    %add3A_139 = arith.constant 96 : i32
    %add3A_140 = arith.addi %mul3A_2, %add3A_139 : i32
    %dma_start3A_141 = arith.constant 0 : i32
    %dma_start3A_142 = tpu.memref_slice %arg4[%add3A_140, %dma_start3A_141] : memref<8192x768xf32, #tpu.memory_space<hbm>> -> memref<16x768xf32, #tpu.memory_space<hbm>>
    %dma_start3A_143 = arith.constant 0 : i32
    %dma_start3A_144 = tpu.memref_slice %arg4[%add3A_140, %dma_start3A_143] : memref<8192x768xf32, #tpu.memory_space<hbm>> -> memref<16x768xf32, #tpu.memory_space<hbm>>
    tpu.enqueue_dma source(%arg13 : memref<16x768xf32, #tpu.memory_space<vmem>>) target(%dma_start3A_144 : memref<16x768xf32, #tpu.memory_space<hbm>>) target_semaphore(%arg33 : memref<!tpu.dma_semaphore, #tpu.memory_space<semaphore_mem>>)
    %dma_wait3A_145 = arith.constant 0 : i32
    %dma_wait3A_146 = tpu.memref_slice %arg4[%add3A_56, %dma_wait3A_145] : memref<8192x768xf32, #tpu.memory_space<hbm>> -> memref<16x768xf32, #tpu.memory_space<hbm>>
    %dma_wait3A_147 = arith.constant 0 : i32
    %dma_wait3A_148 = tpu.memref_slice %arg4[%add3A_56, %dma_wait3A_147] : memref<8192x768xf32, #tpu.memory_space<hbm>> -> memref<16x768xf32, #tpu.memory_space<hbm>>
    tpu.wait_dma2 semaphore(%arg28 : memref<!tpu.dma_semaphore, #tpu.memory_space<semaphore_mem>>) src(%arg8 : memref<16x768xf32, #tpu.memory_space<vmem>>) dst(%dma_wait3A_148 : memref<16x768xf32, #tpu.memory_space<hbm>>)
    %add3A_149 = arith.constant 176 : i32
    %add3A_150 = arith.addi %mul3A_2, %add3A_149 : i32
    %dma_start3A_151 = arith.constant 0 : i32
    %dma_start3A_152 = tpu.memref_slice %arg3[%add3A_150, %dma_start3A_151] : memref<8192x768xf32, #tpu.memory_space<hbm>> -> memref<16x768xf32, #tpu.memory_space<hbm>>
    %dma_start3A_153 = arith.constant 0 : i32
    %dma_start3A_154 = tpu.memref_slice %arg3[%add3A_150, %dma_start3A_153] : memref<8192x768xf32, #tpu.memory_space<hbm>> -> memref<16x768xf32, #tpu.memory_space<hbm>>
    tpu.enqueue_dma source(%dma_start3A_154 : memref<16x768xf32, #tpu.memory_space<hbm>>) target(%arg8 : memref<16x768xf32, #tpu.memory_space<vmem>>) target_semaphore(%arg18 : memref<!tpu.dma_semaphore, #tpu.memory_space<semaphore_mem>>)
    %dma_wait3A_155 = arith.constant 0 : i32
    %dma_wait3A_156 = tpu.memref_slice %arg3[%add3A_78, %dma_wait3A_155] : memref<8192x768xf32, #tpu.memory_space<hbm>> -> memref<16x768xf32, #tpu.memory_space<hbm>>
    %dma_wait3A_157 = arith.constant 0 : i32
    %dma_wait3A_158 = tpu.memref_slice %arg3[%add3A_78, %dma_wait3A_157] : memref<8192x768xf32, #tpu.memory_space<hbm>> -> memref<16x768xf32, #tpu.memory_space<hbm>>
    tpu.wait_dma2 semaphore(%arg24 : memref<!tpu.dma_semaphore, #tpu.memory_space<semaphore_mem>>) src(%dma_wait3A_158 : memref<16x768xf32, #tpu.memory_space<hbm>>) dst(%arg14 : memref<16x768xf32, #tpu.memory_space<vmem>>)
    %add3A_159 = arith.constant 112 : i32
    %add3A_160 = arith.addi %mul3A_2, %add3A_159 : i32
    %dma_start3A_161 = arith.constant 0 : i32
    %dma_start3A_162 = tpu.memref_slice %arg4[%add3A_160, %dma_start3A_161] : memref<8192x768xf32, #tpu.memory_space<hbm>> -> memref<16x768xf32, #tpu.memory_space<hbm>>
    %dma_start3A_163 = arith.constant 0 : i32
    %dma_start3A_164 = tpu.memref_slice %arg4[%add3A_160, %dma_start3A_163] : memref<8192x768xf32, #tpu.memory_space<hbm>> -> memref<16x768xf32, #tpu.memory_space<hbm>>
    tpu.enqueue_dma source(%arg14 : memref<16x768xf32, #tpu.memory_space<vmem>>) target(%dma_start3A_164 : memref<16x768xf32, #tpu.memory_space<hbm>>) target_semaphore(%arg34 : memref<!tpu.dma_semaphore, #tpu.memory_space<semaphore_mem>>)
    %dma_wait3A_165 = arith.constant 0 : i32
    %dma_wait3A_166 = tpu.memref_slice %arg4[%add3A_72, %dma_wait3A_165] : memref<8192x768xf32, #tpu.memory_space<hbm>> -> memref<16x768xf32, #tpu.memory_space<hbm>>
    %dma_wait3A_167 = arith.constant 0 : i32
    %dma_wait3A_168 = tpu.memref_slice %arg4[%add3A_72, %dma_wait3A_167] : memref<8192x768xf32, #tpu.memory_space<hbm>> -> memref<16x768xf32, #tpu.memory_space<hbm>>
    tpu.wait_dma2 semaphore(%arg29 : memref<!tpu.dma_semaphore, #tpu.memory_space<semaphore_mem>>) src(%arg9 : memref<16x768xf32, #tpu.memory_space<vmem>>) dst(%dma_wait3A_168 : memref<16x768xf32, #tpu.memory_space<hbm>>)
    %add3A_169 = arith.constant 192 : i32
    %add3A_170 = arith.addi %mul3A_2, %add3A_169 : i32
    %dma_start3A_171 = arith.constant 0 : i32
    %dma_start3A_172 = tpu.memref_slice %arg3[%add3A_170, %dma_start3A_171] : memref<8192x768xf32, #tpu.memory_space<hbm>> -> memref<16x768xf32, #tpu.memory_space<hbm>>
    %dma_start3A_173 = arith.constant 0 : i32
    %dma_start3A_174 = tpu.memref_slice %arg3[%add3A_170, %dma_start3A_173] : memref<8192x768xf32, #tpu.memory_space<hbm>> -> memref<16x768xf32, #tpu.memory_space<hbm>>
    tpu.enqueue_dma source(%dma_start3A_174 : memref<16x768xf32, #tpu.memory_space<hbm>>) target(%arg9 : memref<16x768xf32, #tpu.memory_space<vmem>>) target_semaphore(%arg19 : memref<!tpu.dma_semaphore, #tpu.memory_space<semaphore_mem>>)
    %dma_wait3A_175 = arith.constant 0 : i32
    %dma_wait3A_176 = tpu.memref_slice %arg3[%add3A_94, %dma_wait3A_175] : memref<8192x768xf32, #tpu.memory_space<hbm>> -> memref<16x768xf32, #tpu.memory_space<hbm>>
    %dma_wait3A_177 = arith.constant 0 : i32
    %dma_wait3A_178 = tpu.memref_slice %arg3[%add3A_94, %dma_wait3A_177] : memref<8192x768xf32, #tpu.memory_space<hbm>> -> memref<16x768xf32, #tpu.memory_space<hbm>>
    tpu.wait_dma2 semaphore(%arg25 : memref<!tpu.dma_semaphore, #tpu.memory_space<semaphore_mem>>) src(%dma_wait3A_178 : memref<16x768xf32, #tpu.memory_space<hbm>>) dst(%arg15 : memref<16x768xf32, #tpu.memory_space<vmem>>)
    %add3A_179 = arith.constant 128 : i32
    %add3A_180 = arith.addi %mul3A_2, %add3A_179 : i32
    %dma_start3A_181 = arith.constant 0 : i32
    %dma_start3A_182 = tpu.memref_slice %arg4[%add3A_180, %dma_start3A_181] : memref<8192x768xf32, #tpu.memory_space<hbm>> -> memref<16x768xf32, #tpu.memory_space<hbm>>
    %dma_start3A_183 = arith.constant 0 : i32
    %dma_start3A_184 = tpu.memref_slice %arg4[%add3A_180, %dma_start3A_183] : memref<8192x768xf32, #tpu.memory_space<hbm>> -> memref<16x768xf32, #tpu.memory_space<hbm>>
    tpu.enqueue_dma source(%arg15 : memref<16x768xf32, #tpu.memory_space<vmem>>) target(%dma_start3A_184 : memref<16x768xf32, #tpu.memory_space<hbm>>) target_semaphore(%arg35 : memref<!tpu.dma_semaphore, #tpu.memory_space<semaphore_mem>>)
    %dma_wait3A_185 = arith.constant 0 : i32
    %dma_wait3A_186 = tpu.memref_slice %arg4[%add3A_88, %dma_wait3A_185] : memref<8192x768xf32, #tpu.memory_space<hbm>> -> memref<16x768xf32, #tpu.memory_space<hbm>>
    %dma_wait3A_187 = arith.constant 0 : i32
    %dma_wait3A_188 = tpu.memref_slice %arg4[%add3A_88, %dma_wait3A_187] : memref<8192x768xf32, #tpu.memory_space<hbm>> -> memref<16x768xf32, #tpu.memory_space<hbm>>
    tpu.wait_dma2 semaphore(%arg30 : memref<!tpu.dma_semaphore, #tpu.memory_space<semaphore_mem>>) src(%arg10 : memref<16x768xf32, #tpu.memory_space<vmem>>) dst(%dma_wait3A_188 : memref<16x768xf32, #tpu.memory_space<hbm>>)
    %add3A_189 = arith.constant 208 : i32
    %add3A_190 = arith.addi %mul3A_2, %add3A_189 : i32
    %dma_start3A_191 = arith.constant 0 : i32
    %dma_start3A_192 = tpu.memref_slice %arg3[%add3A_190, %dma_start3A_191] : memref<8192x768xf32, #tpu.memory_space<hbm>> -> memref<16x768xf32, #tpu.memory_space<hbm>>
    %dma_start3A_193 = arith.constant 0 : i32
    %dma_start3A_194 = tpu.memref_slice %arg3[%add3A_190, %dma_start3A_193] : memref<8192x768xf32, #tpu.memory_space<hbm>> -> memref<16x768xf32, #tpu.memory_space<hbm>>
    tpu.enqueue_dma source(%dma_start3A_194 : memref<16x768xf32, #tpu.memory_space<hbm>>) target(%arg10 : memref<16x768xf32, #tpu.memory_space<vmem>>) target_semaphore(%arg20 : memref<!tpu.dma_semaphore, #tpu.memory_space<semaphore_mem>>)
    %dma_wait3A_195 = arith.constant 0 : i32
    %dma_wait3A_196 = tpu.memref_slice %arg3[%add3A_110, %dma_wait3A_195] : memref<8192x768xf32, #tpu.memory_space<hbm>> -> memref<16x768xf32, #tpu.memory_space<hbm>>
    %dma_wait3A_197 = arith.constant 0 : i32
    %dma_wait3A_198 = tpu.memref_slice %arg3[%add3A_110, %dma_wait3A_197] : memref<8192x768xf32, #tpu.memory_space<hbm>> -> memref<16x768xf32, #tpu.memory_space<hbm>>
    tpu.wait_dma2 semaphore(%arg26 : memref<!tpu.dma_semaphore, #tpu.memory_space<semaphore_mem>>) src(%dma_wait3A_198 : memref<16x768xf32, #tpu.memory_space<hbm>>) dst(%arg16 : memref<16x768xf32, #tpu.memory_space<vmem>>)
    %add3A_199 = arith.constant 144 : i32
    %add3A_200 = arith.addi %mul3A_2, %add3A_199 : i32
    %dma_start3A_201 = arith.constant 0 : i32
    %dma_start3A_202 = tpu.memref_slice %arg4[%add3A_200, %dma_start3A_201] : memref<8192x768xf32, #tpu.memory_space<hbm>> -> memref<16x768xf32, #tpu.memory_space<hbm>>
    %dma_start3A_203 = arith.constant 0 : i32
    %dma_start3A_204 = tpu.memref_slice %arg4[%add3A_200, %dma_start3A_203] : memref<8192x768xf32, #tpu.memory_space<hbm>> -> memref<16x768xf32, #tpu.memory_space<hbm>>
    tpu.enqueue_dma source(%arg16 : memref<16x768xf32, #tpu.memory_space<vmem>>) target(%dma_start3A_204 : memref<16x768xf32, #tpu.memory_space<hbm>>) target_semaphore(%arg36 : memref<!tpu.dma_semaphore, #tpu.memory_space<semaphore_mem>>)
    %dma_wait3A_205 = arith.constant 0 : i32
    %dma_wait3A_206 = tpu.memref_slice %arg4[%add3A_104, %dma_wait3A_205] : memref<8192x768xf32, #tpu.memory_space<hbm>> -> memref<16x768xf32, #tpu.memory_space<hbm>>
    %dma_wait3A_207 = arith.constant 0 : i32
    %dma_wait3A_208 = tpu.memref_slice %arg4[%add3A_104, %dma_wait3A_207] : memref<8192x768xf32, #tpu.memory_space<hbm>> -> memref<16x768xf32, #tpu.memory_space<hbm>>
    tpu.wait_dma2 semaphore(%arg31 : memref<!tpu.dma_semaphore, #tpu.memory_space<semaphore_mem>>) src(%arg11 : memref<16x768xf32, #tpu.memory_space<vmem>>) dst(%dma_wait3A_208 : memref<16x768xf32, #tpu.memory_space<hbm>>)
    %add3A_209 = arith.constant 224 : i32
    %add3A_210 = arith.addi %mul3A_2, %add3A_209 : i32
    %dma_start3A_211 = arith.constant 0 : i32
    %dma_start3A_212 = tpu.memref_slice %arg3[%add3A_210, %dma_start3A_211] : memref<8192x768xf32, #tpu.memory_space<hbm>> -> memref<16x768xf32, #tpu.memory_space<hbm>>
    %dma_start3A_213 = arith.constant 0 : i32
    %dma_start3A_214 = tpu.memref_slice %arg3[%add3A_210, %dma_start3A_213] : memref<8192x768xf32, #tpu.memory_space<hbm>> -> memref<16x768xf32, #tpu.memory_space<hbm>>
    tpu.enqueue_dma source(%dma_start3A_214 : memref<16x768xf32, #tpu.memory_space<hbm>>) target(%arg11 : memref<16x768xf32, #tpu.memory_space<vmem>>) target_semaphore(%arg21 : memref<!tpu.dma_semaphore, #tpu.memory_space<semaphore_mem>>)
    %dma_wait3A_215 = arith.constant 0 : i32
    %dma_wait3A_216 = tpu.memref_slice %arg3[%add3A_130, %dma_wait3A_215] : memref<8192x768xf32, #tpu.memory_space<hbm>> -> memref<16x768xf32, #tpu.memory_space<hbm>>
    %dma_wait3A_217 = arith.constant 0 : i32
    %dma_wait3A_218 = tpu.memref_slice %arg3[%add3A_130, %dma_wait3A_217] : memref<8192x768xf32, #tpu.memory_space<hbm>> -> memref<16x768xf32, #tpu.memory_space<hbm>>
    tpu.wait_dma2 semaphore(%arg17 : memref<!tpu.dma_semaphore, #tpu.memory_space<semaphore_mem>>) src(%dma_wait3A_218 : memref<16x768xf32, #tpu.memory_space<hbm>>) dst(%arg7 : memref<16x768xf32, #tpu.memory_space<vmem>>)
    %add3A_219 = arith.constant 160 : i32
    %add3A_220 = arith.addi %mul3A_2, %add3A_219 : i32
    %dma_start3A_221 = arith.constant 0 : i32
    %dma_start3A_222 = tpu.memref_slice %arg4[%add3A_220, %dma_start3A_221] : memref<8192x768xf32, #tpu.memory_space<hbm>> -> memref<16x768xf32, #tpu.memory_space<hbm>>
    %dma_start3A_223 = arith.constant 0 : i32
    %dma_start3A_224 = tpu.memref_slice %arg4[%add3A_220, %dma_start3A_223] : memref<8192x768xf32, #tpu.memory_space<hbm>> -> memref<16x768xf32, #tpu.memory_space<hbm>>
    tpu.enqueue_dma source(%arg7 : memref<16x768xf32, #tpu.memory_space<vmem>>) target(%dma_start3A_224 : memref<16x768xf32, #tpu.memory_space<hbm>>) target_semaphore(%arg27 : memref<!tpu.dma_semaphore, #tpu.memory_space<semaphore_mem>>)
    %dma_wait3A_225 = arith.constant 0 : i32
    %dma_wait3A_226 = tpu.memref_slice %arg4[%add3A_120, %dma_wait3A_225] : memref<8192x768xf32, #tpu.memory_space<hbm>> -> memref<16x768xf32, #tpu.memory_space<hbm>>
    %dma_wait3A_227 = arith.constant 0 : i32
    %dma_wait3A_228 = tpu.memref_slice %arg4[%add3A_120, %dma_wait3A_227] : memref<8192x768xf32, #tpu.memory_space<hbm>> -> memref<16x768xf32, #tpu.memory_space<hbm>>
    tpu.wait_dma2 semaphore(%arg32 : memref<!tpu.dma_semaphore, #tpu.memory_space<semaphore_mem>>) src(%arg12 : memref<16x768xf32, #tpu.memory_space<vmem>>) dst(%dma_wait3A_228 : memref<16x768xf32, #tpu.memory_space<hbm>>)
    %add3A_229 = arith.constant 240 : i32
    %add3A_230 = arith.addi %mul3A_2, %add3A_229 : i32
    %dma_start3A_231 = arith.constant 0 : i32
    %dma_start3A_232 = tpu.memref_slice %arg3[%add3A_230, %dma_start3A_231] : memref<8192x768xf32, #tpu.memory_space<hbm>> -> memref<16x768xf32, #tpu.memory_space<hbm>>
    %dma_start3A_233 = arith.constant 0 : i32
    %dma_start3A_234 = tpu.memref_slice %arg3[%add3A_230, %dma_start3A_233] : memref<8192x768xf32, #tpu.memory_space<hbm>> -> memref<16x768xf32, #tpu.memory_space<hbm>>
    tpu.enqueue_dma source(%dma_start3A_234 : memref<16x768xf32, #tpu.memory_space<hbm>>) target(%arg12 : memref<16x768xf32, #tpu.memory_space<vmem>>) target_semaphore(%arg22 : memref<!tpu.dma_semaphore, #tpu.memory_space<semaphore_mem>>)
    %dma_wait3A_235 = arith.constant 0 : i32
    %dma_wait3A_236 = tpu.memref_slice %arg3[%add3A_150, %dma_wait3A_235] : memref<8192x768xf32, #tpu.memory_space<hbm>> -> memref<16x768xf32, #tpu.memory_space<hbm>>
    %dma_wait3A_237 = arith.constant 0 : i32
    %dma_wait3A_238 = tpu.memref_slice %arg3[%add3A_150, %dma_wait3A_237] : memref<8192x768xf32, #tpu.memory_space<hbm>> -> memref<16x768xf32, #tpu.memory_space<hbm>>
    tpu.wait_dma2 semaphore(%arg18 : memref<!tpu.dma_semaphore, #tpu.memory_space<semaphore_mem>>) src(%dma_wait3A_238 : memref<16x768xf32, #tpu.memory_space<hbm>>) dst(%arg8 : memref<16x768xf32, #tpu.memory_space<vmem>>)
    %add3A_239 = arith.constant 176 : i32
    %add3A_240 = arith.addi %mul3A_2, %add3A_239 : i32
    %dma_start3A_241 = arith.constant 0 : i32
    %dma_start3A_242 = tpu.memref_slice %arg4[%add3A_240, %dma_start3A_241] : memref<8192x768xf32, #tpu.memory_space<hbm>> -> memref<16x768xf32, #tpu.memory_space<hbm>>
    %dma_start3A_243 = arith.constant 0 : i32
    %dma_start3A_244 = tpu.memref_slice %arg4[%add3A_240, %dma_start3A_243] : memref<8192x768xf32, #tpu.memory_space<hbm>> -> memref<16x768xf32, #tpu.memory_space<hbm>>
    tpu.enqueue_dma source(%arg8 : memref<16x768xf32, #tpu.memory_space<vmem>>) target(%dma_start3A_244 : memref<16x768xf32, #tpu.memory_space<hbm>>) target_semaphore(%arg28 : memref<!tpu.dma_semaphore, #tpu.memory_space<semaphore_mem>>)
    %dma_wait3A_245 = arith.constant 0 : i32
    %dma_wait3A_246 = tpu.memref_slice %arg3[%add3A_170, %dma_wait3A_245] : memref<8192x768xf32, #tpu.memory_space<hbm>> -> memref<16x768xf32, #tpu.memory_space<hbm>>
    %dma_wait3A_247 = arith.constant 0 : i32
    %dma_wait3A_248 = tpu.memref_slice %arg3[%add3A_170, %dma_wait3A_247] : memref<8192x768xf32, #tpu.memory_space<hbm>> -> memref<16x768xf32, #tpu.memory_space<hbm>>
    tpu.wait_dma2 semaphore(%arg19 : memref<!tpu.dma_semaphore, #tpu.memory_space<semaphore_mem>>) src(%dma_wait3A_248 : memref<16x768xf32, #tpu.memory_space<hbm>>) dst(%arg9 : memref<16x768xf32, #tpu.memory_space<vmem>>)
    %add3A_249 = arith.constant 192 : i32
    %add3A_250 = arith.addi %mul3A_2, %add3A_249 : i32
    %dma_start3A_251 = arith.constant 0 : i32
    %dma_start3A_252 = tpu.memref_slice %arg4[%add3A_250, %dma_start3A_251] : memref<8192x768xf32, #tpu.memory_space<hbm>> -> memref<16x768xf32, #tpu.memory_space<hbm>>
    %dma_start3A_253 = arith.constant 0 : i32
    %dma_start3A_254 = tpu.memref_slice %arg4[%add3A_250, %dma_start3A_253] : memref<8192x768xf32, #tpu.memory_space<hbm>> -> memref<16x768xf32, #tpu.memory_space<hbm>>
    tpu.enqueue_dma source(%arg9 : memref<16x768xf32, #tpu.memory_space<vmem>>) target(%dma_start3A_254 : memref<16x768xf32, #tpu.memory_space<hbm>>) target_semaphore(%arg29 : memref<!tpu.dma_semaphore, #tpu.memory_space<semaphore_mem>>)
    %dma_wait3A_255 = arith.constant 0 : i32
    %dma_wait3A_256 = tpu.memref_slice %arg3[%add3A_190, %dma_wait3A_255] : memref<8192x768xf32, #tpu.memory_space<hbm>> -> memref<16x768xf32, #tpu.memory_space<hbm>>
    %dma_wait3A_257 = arith.constant 0 : i32
    %dma_wait3A_258 = tpu.memref_slice %arg3[%add3A_190, %dma_wait3A_257] : memref<8192x768xf32, #tpu.memory_space<hbm>> -> memref<16x768xf32, #tpu.memory_space<hbm>>
    tpu.wait_dma2 semaphore(%arg20 : memref<!tpu.dma_semaphore, #tpu.memory_space<semaphore_mem>>) src(%dma_wait3A_258 : memref<16x768xf32, #tpu.memory_space<hbm>>) dst(%arg10 : memref<16x768xf32, #tpu.memory_space<vmem>>)
    %add3A_259 = arith.constant 208 : i32
    %add3A_260 = arith.addi %mul3A_2, %add3A_259 : i32
    %dma_start3A_261 = arith.constant 0 : i32
    %dma_start3A_262 = tpu.memref_slice %arg4[%add3A_260, %dma_start3A_261] : memref<8192x768xf32, #tpu.memory_space<hbm>> -> memref<16x768xf32, #tpu.memory_space<hbm>>
    %dma_start3A_263 = arith.constant 0 : i32
    %dma_start3A_264 = tpu.memref_slice %arg4[%add3A_260, %dma_start3A_263] : memref<8192x768xf32, #tpu.memory_space<hbm>> -> memref<16x768xf32, #tpu.memory_space<hbm>>
    tpu.enqueue_dma source(%arg10 : memref<16x768xf32, #tpu.memory_space<vmem>>) target(%dma_start3A_264 : memref<16x768xf32, #tpu.memory_space<hbm>>) target_semaphore(%arg30 : memref<!tpu.dma_semaphore, #tpu.memory_space<semaphore_mem>>)
    %dma_wait3A_265 = arith.constant 0 : i32
    %dma_wait3A_266 = tpu.memref_slice %arg3[%add3A_210, %dma_wait3A_265] : memref<8192x768xf32, #tpu.memory_space<hbm>> -> memref<16x768xf32, #tpu.memory_space<hbm>>
    %dma_wait3A_267 = arith.constant 0 : i32
    %dma_wait3A_268 = tpu.memref_slice %arg3[%add3A_210, %dma_wait3A_267] : memref<8192x768xf32, #tpu.memory_space<hbm>> -> memref<16x768xf32, #tpu.memory_space<hbm>>
    tpu.wait_dma2 semaphore(%arg21 : memref<!tpu.dma_semaphore, #tpu.memory_space<semaphore_mem>>) src(%dma_wait3A_268 : memref<16x768xf32, #tpu.memory_space<hbm>>) dst(%arg11 : memref<16x768xf32, #tpu.memory_space<vmem>>)
    %add3A_269 = arith.constant 224 : i32
    %add3A_270 = arith.addi %mul3A_2, %add3A_269 : i32
    %dma_start3A_271 = arith.constant 0 : i32
    %dma_start3A_272 = tpu.memref_slice %arg4[%add3A_270, %dma_start3A_271] : memref<8192x768xf32, #tpu.memory_space<hbm>> -> memref<16x768xf32, #tpu.memory_space<hbm>>
    %dma_start3A_273 = arith.constant 0 : i32
    %dma_start3A_274 = tpu.memref_slice %arg4[%add3A_270, %dma_start3A_273] : memref<8192x768xf32, #tpu.memory_space<hbm>> -> memref<16x768xf32, #tpu.memory_space<hbm>>
    tpu.enqueue_dma source(%arg11 : memref<16x768xf32, #tpu.memory_space<vmem>>) target(%dma_start3A_274 : memref<16x768xf32, #tpu.memory_space<hbm>>) target_semaphore(%arg31 : memref<!tpu.dma_semaphore, #tpu.memory_space<semaphore_mem>>)
    %dma_wait3A_275 = arith.constant 0 : i32
    %dma_wait3A_276 = tpu.memref_slice %arg3[%add3A_230, %dma_wait3A_275] : memref<8192x768xf32, #tpu.memory_space<hbm>> -> memref<16x768xf32, #tpu.memory_space<hbm>>
    %dma_wait3A_277 = arith.constant 0 : i32
    %dma_wait3A_278 = tpu.memref_slice %arg3[%add3A_230, %dma_wait3A_277] : memref<8192x768xf32, #tpu.memory_space<hbm>> -> memref<16x768xf32, #tpu.memory_space<hbm>>
    tpu.wait_dma2 semaphore(%arg22 : memref<!tpu.dma_semaphore, #tpu.memory_space<semaphore_mem>>) src(%dma_wait3A_278 : memref<16x768xf32, #tpu.memory_space<hbm>>) dst(%arg12 : memref<16x768xf32, #tpu.memory_space<vmem>>)
    %add3A_279 = arith.constant 240 : i32
    %add3A_280 = arith.addi %mul3A_2, %add3A_279 : i32
    %dma_start3A_281 = arith.constant 0 : i32
    %dma_start3A_282 = tpu.memref_slice %arg4[%add3A_280, %dma_start3A_281] : memref<8192x768xf32, #tpu.memory_space<hbm>> -> memref<16x768xf32, #tpu.memory_space<hbm>>
    %dma_start3A_283 = arith.constant 0 : i32
    %dma_start3A_284 = tpu.memref_slice %arg4[%add3A_280, %dma_start3A_283] : memref<8192x768xf32, #tpu.memory_space<hbm>> -> memref<16x768xf32, #tpu.memory_space<hbm>>
    tpu.enqueue_dma source(%arg12 : memref<16x768xf32, #tpu.memory_space<vmem>>) target(%dma_start3A_284 : memref<16x768xf32, #tpu.memory_space<hbm>>) target_semaphore(%arg32 : memref<!tpu.dma_semaphore, #tpu.memory_space<semaphore_mem>>)
    %dma_wait3A_285 = arith.constant 0 : i32
    %dma_wait3A_286 = tpu.memref_slice %arg4[%add3A_140, %dma_wait3A_285] : memref<8192x768xf32, #tpu.memory_space<hbm>> -> memref<16x768xf32, #tpu.memory_space<hbm>>
    %dma_wait3A_287 = arith.constant 0 : i32
    %dma_wait3A_288 = tpu.memref_slice %arg4[%add3A_140, %dma_wait3A_287] : memref<8192x768xf32, #tpu.memory_space<hbm>> -> memref<16x768xf32, #tpu.memory_space<hbm>>
    tpu.wait_dma2 semaphore(%arg33 : memref<!tpu.dma_semaphore, #tpu.memory_space<semaphore_mem>>) src(%arg13 : memref<16x768xf32, #tpu.memory_space<vmem>>) dst(%dma_wait3A_288 : memref<16x768xf32, #tpu.memory_space<hbm>>)
    %dma_wait3A_289 = arith.constant 0 : i32
    %dma_wait3A_290 = tpu.memref_slice %arg4[%add3A_160, %dma_wait3A_289] : memref<8192x768xf32, #tpu.memory_space<hbm>> -> memref<16x768xf32, #tpu.memory_space<hbm>>
    %dma_wait3A_291 = arith.constant 0 : i32
    %dma_wait3A_292 = tpu.memref_slice %arg4[%add3A_160, %dma_wait3A_291] : memref<8192x768xf32, #tpu.memory_space<hbm>> -> memref<16x768xf32, #tpu.memory_space<hbm>>
    tpu.wait_dma2 semaphore(%arg34 : memref<!tpu.dma_semaphore, #tpu.memory_space<semaphore_mem>>) src(%arg14 : memref<16x768xf32, #tpu.memory_space<vmem>>) dst(%dma_wait3A_292 : memref<16x768xf32, #tpu.memory_space<hbm>>)
    %dma_wait3A_293 = arith.constant 0 : i32
    %dma_wait3A_294 = tpu.memref_slice %arg4[%add3A_180, %dma_wait3A_293] : memref<8192x768xf32, #tpu.memory_space<hbm>> -> memref<16x768xf32, #tpu.memory_space<hbm>>
    %dma_wait3A_295 = arith.constant 0 : i32
    %dma_wait3A_296 = tpu.memref_slice %arg4[%add3A_180, %dma_wait3A_295] : memref<8192x768xf32, #tpu.memory_space<hbm>> -> memref<16x768xf32, #tpu.memory_space<hbm>>
    tpu.wait_dma2 semaphore(%arg35 : memref<!tpu.dma_semaphore, #tpu.memory_space<semaphore_mem>>) src(%arg15 : memref<16x768xf32, #tpu.memory_space<vmem>>) dst(%dma_wait3A_296 : memref<16x768xf32, #tpu.memory_space<hbm>>)
    %dma_wait3A_297 = arith.constant 0 : i32
    %dma_wait3A_298 = tpu.memref_slice %arg4[%add3A_200, %dma_wait3A_297] : memref<8192x768xf32, #tpu.memory_space<hbm>> -> memref<16x768xf32, #tpu.memory_space<hbm>>
    %dma_wait3A_299 = arith.constant 0 : i32
    %dma_wait3A_300 = tpu.memref_slice %arg4[%add3A_200, %dma_wait3A_299] : memref<8192x768xf32, #tpu.memory_space<hbm>> -> memref<16x768xf32, #tpu.memory_space<hbm>>
    tpu.wait_dma2 semaphore(%arg36 : memref<!tpu.dma_semaphore, #tpu.memory_space<semaphore_mem>>) src(%arg16 : memref<16x768xf32, #tpu.memory_space<vmem>>) dst(%dma_wait3A_300 : memref<16x768xf32, #tpu.memory_space<hbm>>)
    %dma_wait3A_301 = arith.constant 0 : i32
    %dma_wait3A_302 = tpu.memref_slice %arg4[%add3A_220, %dma_wait3A_301] : memref<8192x768xf32, #tpu.memory_space<hbm>> -> memref<16x768xf32, #tpu.memory_space<hbm>>
    %dma_wait3A_303 = arith.constant 0 : i32
    %dma_wait3A_304 = tpu.memref_slice %arg4[%add3A_220, %dma_wait3A_303] : memref<8192x768xf32, #tpu.memory_space<hbm>> -> memref<16x768xf32, #tpu.memory_space<hbm>>
    tpu.wait_dma2 semaphore(%arg27 : memref<!tpu.dma_semaphore, #tpu.memory_space<semaphore_mem>>) src(%arg7 : memref<16x768xf32, #tpu.memory_space<vmem>>) dst(%dma_wait3A_304 : memref<16x768xf32, #tpu.memory_space<hbm>>)
    %dma_wait3A_305 = arith.constant 0 : i32
    %dma_wait3A_306 = tpu.memref_slice %arg4[%add3A_240, %dma_wait3A_305] : memref<8192x768xf32, #tpu.memory_space<hbm>> -> memref<16x768xf32, #tpu.memory_space<hbm>>
    %dma_wait3A_307 = arith.constant 0 : i32
    %dma_wait3A_308 = tpu.memref_slice %arg4[%add3A_240, %dma_wait3A_307] : memref<8192x768xf32, #tpu.memory_space<hbm>> -> memref<16x768xf32, #tpu.memory_space<hbm>>
    tpu.wait_dma2 semaphore(%arg28 : memref<!tpu.dma_semaphore, #tpu.memory_space<semaphore_mem>>) src(%arg8 : memref<16x768xf32, #tpu.memory_space<vmem>>) dst(%dma_wait3A_308 : memref<16x768xf32, #tpu.memory_space<hbm>>)
    %dma_wait3A_309 = arith.constant 0 : i32
    %dma_wait3A_310 = tpu.memref_slice %arg4[%add3A_250, %dma_wait3A_309] : memref<8192x768xf32, #tpu.memory_space<hbm>> -> memref<16x768xf32, #tpu.memory_space<hbm>>
    %dma_wait3A_311 = arith.constant 0 : i32
    %dma_wait3A_312 = tpu.memref_slice %arg4[%add3A_250, %dma_wait3A_311] : memref<8192x768xf32, #tpu.memory_space<hbm>> -> memref<16x768xf32, #tpu.memory_space<hbm>>
    tpu.wait_dma2 semaphore(%arg29 : memref<!tpu.dma_semaphore, #tpu.memory_space<semaphore_mem>>) src(%arg9 : memref<16x768xf32, #tpu.memory_space<vmem>>) dst(%dma_wait3A_312 : memref<16x768xf32, #tpu.memory_space<hbm>>)
    %dma_wait3A_313 = arith.constant 0 : i32
    %dma_wait3A_314 = tpu.memref_slice %arg4[%add3A_260, %dma_wait3A_313] : memref<8192x768xf32, #tpu.memory_space<hbm>> -> memref<16x768xf32, #tpu.memory_space<hbm>>
    %dma_wait3A_315 = arith.constant 0 : i32
    %dma_wait3A_316 = tpu.memref_slice %arg4[%add3A_260, %dma_wait3A_315] : memref<8192x768xf32, #tpu.memory_space<hbm>> -> memref<16x768xf32, #tpu.memory_space<hbm>>
    tpu.wait_dma2 semaphore(%arg30 : memref<!tpu.dma_semaphore, #tpu.memory_space<semaphore_mem>>) src(%arg10 : memref<16x768xf32, #tpu.memory_space<vmem>>) dst(%dma_wait3A_316 : memref<16x768xf32, #tpu.memory_space<hbm>>)
    %dma_wait3A_317 = arith.constant 0 : i32
    %dma_wait3A_318 = tpu.memref_slice %arg4[%add3A_270, %dma_wait3A_317] : memref<8192x768xf32, #tpu.memory_space<hbm>> -> memref<16x768xf32, #tpu.memory_space<hbm>>
    %dma_wait3A_319 = arith.constant 0 : i32
    %dma_wait3A_320 = tpu.memref_slice %arg4[%add3A_270, %dma_wait3A_319] : memref<8192x768xf32, #tpu.memory_space<hbm>> -> memref<16x768xf32, #tpu.memory_space<hbm>>
    tpu.wait_dma2 semaphore(%arg31 : memref<!tpu.dma_semaphore, #tpu.memory_space<semaphore_mem>>) src(%arg11 : memref<16x768xf32, #tpu.memory_space<vmem>>) dst(%dma_wait3A_320 : memref<16x768xf32, #tpu.memory_space<hbm>>)
    %dma_wait3A_321 = arith.constant 0 : i32
    %dma_wait3A_322 = tpu.memref_slice %arg4[%add3A_280, %dma_wait3A_321] : memref<8192x768xf32, #tpu.memory_space<hbm>> -> memref<16x768xf32, #tpu.memory_space<hbm>>
    %dma_wait3A_323 = arith.constant 0 : i32
    %dma_wait3A_324 = tpu.memref_slice %arg4[%add3A_280, %dma_wait3A_323] : memref<8192x768xf32, #tpu.memory_space<hbm>> -> memref<16x768xf32, #tpu.memory_space<hbm>>
    tpu.wait_dma2 semaphore(%arg32 : memref<!tpu.dma_semaphore, #tpu.memory_space<semaphore_mem>>) src(%arg12 : memref<16x768xf32, #tpu.memory_space<vmem>>) dst(%dma_wait3A_324 : memref<16x768xf32, #tpu.memory_space<hbm>>)
    %dma_wait3A_325 = arith.constant 0 : i32
    %dma_wait3A_326 = tpu.memref_slice %arg5[%dma_wait3A_325] : memref<16xi32, #tpu.memory_space<vmem>> -> memref<1xi32, #tpu.memory_space<vmem>>
    %dma_wait3A_327 = arith.constant 0 : i32
    %dma_wait3A_328 = tpu.memref_slice %arg5[%dma_wait3A_327] : memref<16xi32, #tpu.memory_space<vmem>> -> memref<1xi32, #tpu.memory_space<vmem>>
    tpu.wait_dma2 semaphore(%arg37 : memref<!tpu.dma_semaphore, #tpu.memory_space<semaphore_mem>>) src(%arg2 : memref<1xi32, #tpu.memory_space<hbm>>) dst(%dma_wait3A_328 : memref<1xi32, #tpu.memory_space<vmem>>)
    %get3A = arith.constant 0 : index
    %get3A_329 = tpu.vector_load %arg5[%get3A] {strides = array<i32>} : memref<16xi32, #tpu.memory_space<vmem>>, vector<16xi32>,
    %get3A_330 = vector.shape_cast %get3A_329 : vector<16xi32> to vector<16xi32>
    %slice3A = vector.extract_strided_slice %get3A_330 {offsets = [0], sizes = [1], strides = [1]} : vector<16xi32> to vector<1xi32>
    %squeeze3A = vector.extract %slice3A[0] : i32 from vector<1xi32>
    %jit3A = arith.constant 1 : i32
    %jit3A_331 = arith.constant 8192 : i32
    %max3A = arith.maxsi %jit3A, %squeeze3A : i32
    %min3A = arith.minsi %jit3A_331, %max3A : i32
    %max3A_332 = arith.maxsi %min3A, %mul3A_2 : i32
    %add3A_333 = arith.constant 256 : i32
    %add3A_334 = arith.addi %mul3A_2, %add3A_333 : i32
    %lt3A = arith.cmpi slt, %max3A_332, %add3A_334 : i32
    %convert_element_type3A = arith.extui %lt3A : i1 to i32
    %cond3A = arith.constant 0 : i32
    %cond3A_335 = arith.cmpi ne, %convert_element_type3A, %cond3A : i32
    scf.if %cond3A_335 {
      %sub3A = arith.constant 1 : i32
      %sub3A_336 = arith.subi %min3A, %sub3A : i32
      "tpu.region"() ({
        %run_scoped3A = tpu.sem_alloc : memref<!tpu.dma_semaphore, #tpu.memory_space<semaphore_mem>>
        %dma_start3A_347 = arith.constant 0 : i32
        %dma_start3A_348 = tpu.memref_slice %arg3[%sub3A_336, %dma_start3A_347] : memref<8192x768xf32, #tpu.memory_space<hbm>> -> memref<1x768xf32, #tpu.memory_space<hbm>>
        %dma_start3A_349 = arith.constant 0 : i32
        %dma_start3A_350 = tpu.memref_slice %arg3[%sub3A_336, %dma_start3A_349] : memref<8192x768xf32, #tpu.memory_space<hbm>> -> memref<1x768xf32, #tpu.memory_space<hbm>>
        tpu.enqueue_dma source(%dma_start3A_350 : memref<1x768xf32, #tpu.memory_space<hbm>>) target(%arg6 : memref<1x768xf32, #tpu.memory_space<vmem>>) target_semaphore(%run_scoped3A : memref<!tpu.dma_semaphore, #tpu.memory_space<semaphore_mem>>)
        %dma_wait3A_351 = arith.constant 0 : i32
        %dma_wait3A_352 = tpu.memref_slice %arg3[%sub3A_336, %dma_wait3A_351] : memref<8192x768xf32, #tpu.memory_space<hbm>> -> memref<1x768xf32, #tpu.memory_space<hbm>>
        %dma_wait3A_353 = arith.constant 0 : i32
        %dma_wait3A_354 = tpu.memref_slice %arg3[%sub3A_336, %dma_wait3A_353] : memref<8192x768xf32, #tpu.memory_space<hbm>> -> memref<1x768xf32, #tpu.memory_space<hbm>>
        tpu.wait_dma2 semaphore(%run_scoped3A : memref<!tpu.dma_semaphore, #tpu.memory_space<semaphore_mem>>) src(%dma_wait3A_354 : memref<1x768xf32, #tpu.memory_space<hbm>>) dst(%arg6 : memref<1x768xf32, #tpu.memory_space<vmem>>)
        tpu.yield
      }) : () -> ()
      %add3A_337 = arith.constant 256 : i32
      %add3A_338 = arith.addi %mul3A_2, %add3A_337 : i32
      %while3A = arith.constant 0 : i32
      %while3A_339 = arith.subi %add3A_338, %max3A_332 : i32
      %while3A_340 = arith.addi %max3A_332, %while3A_339 : i32
      %while3A_341 = arith.constant 1 : i32
      %while3A_342 = arith.divsi %while3A_339, %while3A_341 : i32
      %while3A_343 = arith.muli %while3A_342, %while3A_341 : i32
      %while3A_344 = arith.addi %max3A_332, %while3A_343 : i32
      %while3A_345 = arith.constant 1 : i32
      scf.for %while3A_347 = %max3A_332 to %while3A_344 step %while3A_345  : i32 {
        "tpu.region"() ({
          %run_scoped3A = tpu.sem_alloc : memref<!tpu.dma_semaphore, #tpu.memory_space<semaphore_mem>>
          %dma_start3A_348 = arith.constant 0 : i32
          %dma_start3A_349 = tpu.memref_slice %arg4[%while3A_347, %dma_start3A_348] : memref<8192x768xf32, #tpu.memory_space<hbm>> -> memref<1x768xf32, #tpu.memory_space<hbm>>
          %dma_start3A_350 = arith.constant 0 : i32
          %dma_start3A_351 = tpu.memref_slice %arg4[%while3A_347, %dma_start3A_350] : memref<8192x768xf32, #tpu.memory_space<hbm>> -> memref<1x768xf32, #tpu.memory_space<hbm>>
          tpu.enqueue_dma source(%arg6 : memref<1x768xf32, #tpu.memory_space<vmem>>) target(%dma_start3A_351 : memref<1x768xf32, #tpu.memory_space<hbm>>) target_semaphore(%run_scoped3A : memref<!tpu.dma_semaphore, #tpu.memory_space<semaphore_mem>>)
          %dma_wait3A_352 = arith.constant 0 : i32
          %dma_wait3A_353 = tpu.memref_slice %arg4[%while3A_347, %dma_wait3A_352] : memref<8192x768xf32, #tpu.memory_space<hbm>> -> memref<1x768xf32, #tpu.memory_space<hbm>>
          %dma_wait3A_354 = arith.constant 0 : i32
          %dma_wait3A_355 = tpu.memref_slice %arg4[%while3A_347, %dma_wait3A_354] : memref<8192x768xf32, #tpu.memory_space<hbm>> -> memref<1x768xf32, #tpu.memory_space<hbm>>
          tpu.wait_dma2 semaphore(%run_scoped3A : memref<!tpu.dma_semaphore, #tpu.memory_space<semaphore_mem>>) src(%arg6 : memref<1x768xf32, #tpu.memory_space<vmem>>) dst(%dma_wait3A_355 : memref<1x768xf32, #tpu.memory_space<hbm>>)
          tpu.yield
        }) : () -> ()
      }
      %while3A_346 = arith.constant 1 : i32
      scf.for %while3A_347 = %while3A_344 to %while3A_340 step %while3A_346  : i32 {
        "tpu.region"() ({
          %run_scoped3A = tpu.sem_alloc : memref<!tpu.dma_semaphore, #tpu.memory_space<semaphore_mem>>
          %dma_start3A_348 = arith.constant 0 : i32
          %dma_start3A_349 = tpu.memref_slice %arg4[%while3A_347, %dma_start3A_348] : memref<8192x768xf32, #tpu.memory_space<hbm>> -> memref<1x768xf32, #tpu.memory_space<hbm>>
          %dma_start3A_350 = arith.constant 0 : i32
          %dma_start3A_351 = tpu.memref_slice %arg4[%while3A_347, %dma_start3A_350] : memref<8192x768xf32, #tpu.memory_space<hbm>> -> memref<1x768xf32, #tpu.memory_space<hbm>>
          tpu.enqueue_dma source(%arg6 : memref<1x768xf32, #tpu.memory_space<vmem>>) target(%dma_start3A_351 : memref<1x768xf32, #tpu.memory_space<hbm>>) target_semaphore(%run_scoped3A : memref<!tpu.dma_semaphore, #tpu.memory_space<semaphore_mem>>)
          %dma_wait3A_352 = arith.constant 0 : i32
          %dma_wait3A_353 = tpu.memref_slice %arg4[%while3A_347, %dma_wait3A_352] : memref<8192x768xf32, #tpu.memory_space<hbm>> -> memref<1x768xf32, #tpu.memory_space<hbm>>
          %dma_wait3A_354 = arith.constant 0 : i32
          %dma_wait3A_355 = tpu.memref_slice %arg4[%while3A_347, %dma_wait3A_354] : memref<8192x768xf32, #tpu.memory_space<hbm>> -> memref<1x768xf32, #tpu.memory_space<hbm>>
          tpu.wait_dma2 semaphore(%run_scoped3A : memref<!tpu.dma_semaphore, #tpu.memory_space<semaphore_mem>>) src(%arg6 : memref<1x768xf32, #tpu.memory_space<vmem>>) dst(%dma_wait3A_355 : memref<1x768xf32, #tpu.memory_space<hbm>>)
          tpu.yield
        }) : () -> ()
      }
    } else {
    }
    return
  }
}

</mosaic_0001>

<sc_bundles>
// kernel: kernel.3.cloned.1.call-start
scs
__scs_entry_jumppad:
0x0: {  	(pc) =	sbr.rel $0x88, $3  }
0x1: {  	(tag) =	ssettag $0x0;
	lr =	simm.s32 $0x1  }
0x2: {  	[smem:$0x3F9F] =	sst lr;
	_ =	strace $0xD0000000  }
0x3: {  	_ = 	snop  }
0x4: {  	_ = 	snop  }
0x5: {  	_ = 	snop  }
0x6: {  	_ = 	snop  }
0x7: {  	_ = 	snop  }
__scs_overlays_trampoline_lowered:
0x8: {  	[smem:$0x3FAE] =	sst s0  }
0x9: {  	[smem:$0x3FAF] =	sst s1  }
0xa: {  	[smem:$0x3FB0] =	sst s2  }
0xb: {  	[smem:$0x3FB1] =	sst s3  }
0xc: {  	[smem:$0x3FB2] =	sst s4  }
0xd: {  	[smem:$0x3FB3] =	sst s5  }
0xe: {  	[smem:$0x3FB4] =	sst s6  }
0xf: {  	[smem:$0x3FB5] =	sst s7  }
0x10: {  	[smem:$0x3FB6] =	sst s8  }
0x11: {  	[smem:$0x3FB7] =	sst s9;
	s0 =	simm.s32 @!p0 $0x0  }
0x12: {  	s1 =	sld [smem:$0x3F9D];
	s0 =	simm.s32 @p0 $0x1  }
0x13: {  	[smem:$0x3FB8] =	sst s0;
	s0 =	simm.s32 @!p1 $0x0  }
0x14: {  	s2 =	sld [smem:$0x3F9C];
	s0 =	simm.s32 @p1 $0x1  }
0x15: {  	[smem:$0x3FB9] =	sst s0;
	s0 =	simm.s32 @!p2 $0x0  }
0x16: {  	s3 =	sld [smem:$0x3FDB];
	s0 =	simm.s32 @p2 $0x1  }
0x17: {  	s4 =	simm.s32 $0x1BF5;
	[smem:$0x3FBB] =	sst s0  }
0x18: {  	s0 =	sld [smem:$0x3F9E];
	_ =	swait.ge [sflag:s4], $0x0  }
0x19: {  	s7 =	sld [smem:$0x3F9F]  }
0x1a: {  	s8 =	sadd.s32 $0xFFFFE003, lr  }
0x1b: {  	s9 =	sadd.s32 $0xFFFFFEF7, lr;
	s5 =	simm.s32 $0xFFFFFFFF;
	p2 =	slt.u32 s8, $0xFFFFF086  }
0x1c: {  	p1 =	slt.u32 s9, $0xF7A;
	s5 =	simm.s32 @!p2 $0x0  }
0x1d: {  	s5 =	simm.s32 @p1 $0x1;
	p0 =	seq.s32 s7, s2  }
0x1e: {  	s7 =	smul.u32 @!p0 $0xF7A, s2;
	p2 =	seq.s32 @!p0 s5, $0x0  }
0x1f: {  	s9 =	smul.u32 $0xF7A, s1;
	s8 =	simm.s32 @!p0 $0x1BF5;
	p2 =	por !p2, p0  }
0x20: {  	[sflag:s8] =	ssyncset.s32 @!p0 $0xFFFFF086;
	s6 =	sadd.s32 @!p0 s3, s7;
	s7 =	simm.s32 @!p0 $0x108  }
0x21: {  	s3 =	sadd.s32 s3, s9;
	s6 =	sadd.s32 @!p0 $0x88, s6;
	s7 =	simm.s32 @p2 $0x1082  }
0x22: {  	[simem:s7], [sflag:s8] =	dma.local @!p0 [hbm:s6], $0xF7A  }
0x23: {  	s9 =	sor.u32 $0xD0000000, s2;
	s6 =	simm.s32 $0x108;
	_ =	swait.ge @!p0 [sflag:s8], $0x0  }
0x24: {  	s3 =	sadd.s32 $0x88, s3;
	s6 =	simm.s32 @!p1 $0x1082;
	[sflag:s4] =	ssyncset.s32 $0xFFFFF086  }
0x25: {  	[simem:s6], [sflag:s4] =	dma.local [hbm:s3], $0xF7A  }
0x26: {  	[smem:$0x3F9F] =	sst s1;
	(tag) =	ssettag s2;
	_ =	strace s9  }
0x27: {  	s1 =	sld [smem:$0x3FAF]  }
0x28: {  	s2 =	sld [smem:$0x3FB0]  }
0x29: {  	s4 =	sld [smem:$0x3FB2]  }
0x2a: {  	p0 =	seq.s32 s5, $0x0;
	s5 =	sld [smem:$0x3FB3]  }
0x2b: {  	s6 =	sld [smem:$0x3FB4]  }
0x2c: {  	s7 =	sld [smem:$0x3FB5]  }
0x2d: {  	s3 =	simm.s32 $0x108;
	s8 =	sld [smem:$0x3FB6]  }
0x2e: {  	s3 =	simm.s32 @!p0 $0x1082;
	s9 =	sld [smem:$0x3FB7]  }
0x2f: {  	lr =	sadd.s32 s0, s3;
	s0 =	sld [smem:$0x3FAE]  }
0x30: {  	s3 =	sld [smem:$0x3FB1]  }
0x31: {  	[smem:$0x3FBA] =	sst s10  }
0x32: {  	s10 =	sld [smem:$0x3FB8];
	_ =	sdelay $0x3  }
0x33: {  	p0 =	seq.s32 s10, $0x1;
	s10 =	sld [smem:$0x3FBA];
	_ =	sdelay $0x3  }
0x34: {  	[smem:$0x3FBA] =	sst s10  }
0x35: {  	s10 =	sld [smem:$0x3FB9];
	_ =	sdelay $0x3  }
0x36: {  	p1 =	seq.s32 s10, $0x1;
	s10 =	sld [smem:$0x3FBA];
	_ =	sdelay $0x3  }
0x37: {  	[smem:$0x3FBA] =	sst s10  }
0x38: {  	s10 =	sld [smem:$0x3FBB]  }
0x39: {  	_ = 	snop;
	(pc) =	sbr.ind lr, $3  }
0x3a: {  	_ = 	snop  }
0x3b: {  	_ = 	snop  }
0x3c: {  	p2 =	seq.s32 s10, $0x1;
	s10 =	sld [smem:$0x3FBA]  }
0x3d: {  	_ =	shalt  }
0x3e: {  	_ =	shalt  }
0x3f: {  	_ =	shalt  }
0x40: {  	_ =	shalt  }
0x41: {  	_ =	shalt  }
0x42: {  	_ =	shalt  }
0x43: {  	_ =	shalt  }
0x44: {  	_ =	shalt  }
0x45: {  	_ =	shalt  }
0x46: {  	_ =	shalt  }
0x47: {  	_ =	shalt  }
0x48: {  	_ =	shalt  }
0x49: {  	_ =	shalt  }
0x4a: {  	_ =	shalt  }
0x4b: {  	_ =	shalt  }
0x4c: {  	_ =	shalt  }
0x4d: {  	_ =	shalt  }
0x4e: {  	_ =	shalt  }
0x4f: {  	_ =	shalt  }
0x50: {  	_ =	shalt  }
0x51: {  	_ =	shalt  }
0x52: {  	_ =	shalt  }
0x53: {  	_ =	shalt  }
0x54: {  	_ =	shalt  }
0x55: {  	_ =	shalt  }
0x56: {  	_ =	shalt  }
0x57: {  	_ =	shalt  }
0x58: {  	_ =	shalt  }
0x59: {  	_ =	shalt  }
0x5a: {  	_ =	shalt  }
0x5b: {  	_ =	shalt  }
0x5c: {  	_ =	shalt  }
0x5d: {  	_ =	shalt  }
0x5e: {  	_ =	shalt  }
0x5f: {  	_ =	shalt  }
0x60: {  	_ =	shalt  }
0x61: {  	_ =	shalt  }
0x62: {  	_ =	shalt  }
0x63: {  	_ =	shalt  }
0x64: {  	_ =	shalt  }
0x65: {  	_ =	shalt  }
0x66: {  	_ =	shalt  }
0x67: {  	_ =	shalt  }
0x68: {  	_ =	shalt  }
0x69: {  	_ =	shalt  }
0x6a: {  	_ =	shalt  }
0x6b: {  	_ =	shalt  }
0x6c: {  	_ =	shalt  }
0x6d: {  	_ =	shalt  }
0x6e: {  	_ =	shalt  }
0x6f: {  	_ =	shalt  }
0x70: {  	_ =	shalt  }
0x71: {  	_ =	shalt  }
0x72: {  	_ =	shalt  }
0x73: {  	_ =	shalt  }
0x74: {  	_ =	shalt  }
0x75: {  	_ =	shalt  }
0x76: {  	_ =	shalt  }
0x77: {  	_ =	shalt  }
0x78: {  	_ =	shalt  }
0x79: {  	_ =	shalt  }
0x7a: {  	_ =	shalt  }
0x7b: {  	_ =	shalt  }
0x7c: {  	_ =	shalt  }
0x7d: {  	_ =	shalt  }
0x7e: {  	_ =	shalt  }
0x7f: {  	_ =	shalt  }
0x80: {  	_ =	shalt  }
0x81: {  	_ =	shalt  }
0x82: {  	_ =	shalt  }
0x83: {  	_ =	shalt  }
0x84: {  	_ =	shalt  }
0x85: {  	_ =	shalt  }
0x86: {  	_ =	shalt  }
0x87: {  	_ =	shalt  }
.Lfunc_end0:
.L_simem_size_0:
called_computation_lowered:
.L_overlay_start_0:
0x88: {  	s2 =	sld [smem:$0x3FD9]  }
0x89: {  	s3 =	sld [smem:$0x3FFE];
	_ =	sdelay $0x1  }
0x8a: {  	s1 =	srdreg.scid  }
0x8b: {  	s0 =	sand.u32 $0x1, s1  }
0x8c: {  	s18 =	sshll.u32 s0, $0xA;
	s2 =	sadd.s32 s3, s2  }
0x8d: {  	s2 =	sadd.s32 s2, s18  }
0x8e: {  	[smem:$0x3FC6] =	sst s2  }
0x8f: {  	_ = 	snop  }
0x90: {  	s2 =	sld [smem:$0x3FC9]  }
0x91: {  	s19 =	sld [smem:$0x3FC8]  }
0x92: {  	s4 =	sld [smem:$0x3FD0];
	(tm) =	ssettm $0x1  }
0x93: {  	s5 =	sld [smem:$0x3FFB];
	_ =	sdelay $0x3  }
0x94: {  	_ =	strace s5  }
0x95: {  	s5 =	sld [smem:$0x3FFC];
	_ =	sdelay $0x3  }
0x96: {  	_ =	strace s5  }
0x97: {  	s5 =	sld [smem:$0x3FFD];
	_ =	sdelay $0x3  }
0x98: {  	_ =	strace s5  }
0x99: {  	_ =	strace $0x8FFFFFFF  }
0x9a: {  	s20 =	sld [smem:$0x3FDB];
	_ =	sdelay $0x1  }
0x9b: {  	s6 =	simm.s32 $_scs_section_size  }
0x9c: {  	s7 =	simm.s32 $_size__tile_overlayer_lowered;
	s8 =	simm.s32 $_tile_overlayer_lowered  }
0x9d: {  	s23 =	simm.s32 $0x1BFF;
	s22 =	sshll.u32 s8, $0x1;
	s5 =	sadd.s32 s6, s20  }
0x9e: {  	s9 =	simm.s32 $0x0;
	s21 =	sshll.u32 s7, $0x1;
	s7 =	sadd.s32 s22, s5  }
0x9f: {  	[timem:s9], [sflag:s23] =	dma.local [hbm:s7], s21  }
0xa0: {  	_ =	swait.ge [sflag:s23], s21  }
0xa1: {  	s6 =	ssub.s32 $0x0, s21;
	[sflag:s23] =	ssyncset.done $0x0  }
0xa2: {  	[sflag:s23] =	ssyncadd.s32 s6;
	_ =	sdelay $0x1  }
0xa3: {  	s24 =	simm.s32 $0x1B8B  }
0xa4: {  	_ =	swait.ge [sflag:s24], $0x1  }
0xa5: {  	[sflag:s24] =	ssyncset.done $0x0  }
0xa6: {  	s25 =	simm.s32 $0x1B8E;
	[sflag:s24] =	ssyncadd.s32 $0xFFFFFFFF  }
0xa7: {  	s26 =	simm.s32 $execute0_lowered;
	[smem:$0x3FD2] =	sst s25  }
0xa8: {  	s6 =	sshll.u32 s26, $0x1;
	_ =	strace $0x80000046;
	[dreg:$0x1] =	wrdreg $0xFFFFFFFF  }
0xa9: {  	s28 =	simm.s32 $_size_execute0_lowered;
	s5 =	sadd.s32 s5, s6;
	[dreg:$0x0] =	wrdreg $0x0  }
0xaa: {  	s6 =	sshll.u32 s28, $0x1;
	[dreg:$0x2] =	wrdreg s5  }
0xab: {  	[dreg:$0x3] =	wrdreg s6  }
0xac: {  	[dreg:$0x4] =	wrdreg $0xC0  }
0xad: {  	_ =	task [dreg:s9], $0x5FFFF  }
0xae: {  	[dreg:$0x1] =	wrdreg $0xFFFFFFFF  }
0xaf: {  	[dreg:$0x0] =	wrdreg $0x60  }
0xb0: {  	[dreg:$0x2] =	wrdreg s2  }
0xb1: {  	[dreg:$0x3] =	wrdreg s19  }
0xb2: {  	[dreg:$0x4] =	wrdreg s4  }
0xb3: {  	[dreg:$0x5] =	wrdreg $0x9  }
0xb4: {  	_ =	task.clear_ibuf [dreg:s9], $0x6FFFF;
	_ =	strace $0x90000046  }
0xb5: {  	s29 =	simm.s32 $0x9;
	_ =	strace $0x80000048  }
0xb6: {  	_ =	swait.ge [sflag:s29], $0x1  }
0xb7: {  	[sflag:s29] =	ssyncadd.s32 $0xFFFFFFFF  }
0xb8: {  	_ =	strace $0x90000048  }
0xb9: {  	_ =	sfence  }
0xba: {  	s30 =	sld [smem:$0x0];
	_ =	sdelay $0x2  }
0xbb: {  	s31 =	sshll.u32 s1, $0xD;
	s1 =	sshrl.u32 s1, $0x2  }
0xbc: {  	s3 =	sand.u32 $0x4000, s31;
	s1 =	sadd.s32 s1, s30  }
0xbd: {  	s0 =	sor.u32 s3, s0;
	s1 =	sshll.u32 s1, $0x11  }
0xbe: {  	s0 =	sor.u32 s1, s0  }
0xbf: {  	s0 =	sadd.s32 $0x8F2B, s0  }
0xc0: {  	[sflag:s0] =	ssyncadd.remote.s32 $0x1  }
0xc1: {  	_ =	sfence.sel $0xFFFF  }
0xc2: {  	[dreg:$0x0] =	wrdreg $0xFFFFFFFF;
	(pc) =	sbr.abs _section_cstart, $3  }
0xc3: {  	[dreg:$0x1] =	wrdreg $0xFFFFFFFF  }
0xc4: {  	_ =	task.clear_ibuf [dreg:s9], $0x2FFFF;
	_ =	strace $0x9FFFFFFF  }
0xc5: {  	(tm) =	ssettm $0x7FFFFFFF  }
tec
execute0_lowered:
.L_overlay_start_1:
0x0: {  	(tag) =	ssettag $0x1  }
0x1: {  	s0 =	srdreg.scid  }
0x2: {  	s1 =	stileid.u32;
	s11 =	rddreg [dreg:$0x1]  }
0x3: {  	s4 =	rddreg [dreg:$0x2];
	s6 =	simm.s32 $0x0;
	s0 =	sand.u32 $0x1, s0  }
0x4: {  	s1 =	sshll.u32 s1, $0x9;
	s2 =	sshll.u32 s0, $0x8;
	s0 =	ssub.s32 $0x2, s0  }
0x5: {  	[smem:$0x7FF] =	sst s6;
	s12 =	sor.u32 s2, s1;
	s3 =	sshrl.u32 s0, $0x1  }
0x6: {  	_ =	strace $0x80000047;
	s1 =	sshrl.u32 s12, $0x3;
	s0 =	ssub.s32 s0, s3  }
0x7: {  	[dreg:$0x4] =	wrdreg s12;
	s25 =	smul.u32 $0x300, s1;
	s0 =	smax.u32 s0, $0x1  }
0x8: {  	[dreg:$0x1f] =	wrdreg s0  }
0x9: {  	s26 =	sor.u32 $0x600, s25;
	s5 =	sor.u32 $0xC00, s25;
	s7 =	sor.u32 $0x1200, s25  }
0xa: {  	s8 =	sor.u32 $0x1800, s25;
	s9 =	sor.u32 $0x1E00, s25;
	s18 =	sadd.s32 s4, s25  }
0xb: {  	s14 =	sadd.s32 s11, s5;
	s5 =	sadd.s32 s4, s5;
	[smem:$0x7FC] =	sst s18  }
0xc: {  	s13 =	sadd.s32 s11, s26;
	s24 =	sadd.s32 s4, s7;
	[dreg:$0x8] =	wrdreg s5  }
0xd: {  	s23 =	sadd.s32 s4, s26;
	s26 =	sadd.s32 s4, s8;
	[dreg:$0xa] =	wrdreg s24  }
0xe: {  	s21 =	sadd.s32 s11, s9;
	[dreg:$0xb] =	wrdreg s26  }
0xf: {  	s1 =	smul.u32 $0x1800, s1;
	[dreg:$0x5] =	wrdreg s21  }
0x10: {  	s31 =	sadd.s32 s4, s9;
	[dreg:$0x6] =	wrdreg s23  }
0x11: {  	s1 =	sshrl.u32 s1, $0x3;
	s16 =	sadd.s32 s11, s8;
	[dreg:$0xc] =	wrdreg s31  }
0x12: {  	s15 =	sadd.s32 $0x2400, s1;
	[smem:$0x7FB] =	sst s16  }
0x13: {  	s20 =	sadd.s32 $0x2A00, s1;
	s17 =	sadd.s32 s11, s15;
	[smem:$0x7FD] =	sst s13  }
0x14: {  	s22 =	sadd.s32 s11, s20;
	[dreg:$0x7] =	wrdreg s17  }
0x15: {  	s10 =	sadd.s32 s11, s25;
	s2 =	sadd.s32 s4, s15;
	[dreg:$0x9] =	wrdreg s22  }
0x16: {  	s25 =	sadd.s32 $0x3000, s1;
	s3 =	sadd.s32 s4, s20;
	[dreg:$0xd] =	wrdreg s2  }
0x17: {  	s19 =	sadd.s32 s11, s7;
	s7 =	sadd.s32 s11, s25;
	[dreg:$0xe] =	wrdreg s3  }
0x18: {  	s9 =	sadd.s32 $0x3600, s1;
	s8 =	sadd.s32 s4, s25;
	[dreg:$0xf] =	wrdreg s7  }
0x19: {  	s15 =	sadd.s32 s11, s9;
	[dreg:$0x10] =	wrdreg s8  }
0x1a: {  	s24 =	sadd.s32 $0x4800, s1;
	[dreg:$0x11] =	wrdreg s15;
	s2 =	sadd.s32 s4, s9  }
0x1b: {  	s17 =	sadd.s32 $0x3C00, s1;
	s15 =	sadd.s32 s11, s24;
	[dreg:$0x12] =	wrdreg s2  }
0x1c: {  	s20 =	sadd.s32 s11, s17;
	[dreg:$0x17] =	wrdreg s15  }
0x1d: {  	s22 =	sadd.s32 $0x4200, s1;
	s2 =	sadd.s32 s4, s17;
	[dreg:$0x13] =	wrdreg s20  }
0x1e: {  	s9 =	sadd.s32 s11, s22;
	[dreg:$0x14] =	wrdreg s2  }
0x1f: {  	s26 =	sadd.s32 $0x5400, s1;
	s17 =	sadd.s32 s4, s24;
	[dreg:$0x15] =	wrdreg s9  }
0x20: {  	s30 =	simm.s32 $0x80;
	s24 =	sadd.s32 s11, s26;
	[dreg:$0x18] =	wrdreg s17  }
0x21: {  	s25 =	sadd.s32 $0x4E00, s1;
	s2 =	sadd.s32 s4, s22;
	[dreg:$0x1b] =	wrdreg s24  }
0x22: {  	s28 =	simm.s32 $0x5;
	s20 =	sadd.s32 s11, s25;
	[dreg:$0x16] =	wrdreg s2  }
0x23: {  	s1 =	sadd.s32 $0x5A00, s1;
	s22 =	sadd.s32 s4, s25;
	[dreg:$0x19] =	wrdreg s20  }
.Ltmp0:
0x24: {  	s25 =	sadd.s32 s4, s26;
	[dreg:$0x1a] =	wrdreg s22;
	(pc) =	sbr.rel .LBB2_1-.Ltmp0, $4  }
0x25: {  	s29 =	simm.s32 $0x6;
	s26 =	sadd.s32 s11, s1;
	[dreg:$0x1c] =	wrdreg s25  }
0x26: {  	s1 =	sadd.s32 s4, s1;
	s11 =	sadd.s32 $0x100, s12;
	[dreg:$0x1d] =	wrdreg s26  }
0x27: {  	s12 =	simm.s32 $0x380;
	[dreg:$0x1e] =	wrdreg s1;
	s26 =	simm.s32 $0x400  }
0x28: {  	s2 =	simm.s32 $0x16;
	s1 =	simm.s32 $0x0;
	s25 =	simm.s32 $0x4  }
.LBB2_3:
0x29: {  	s10 =	smov.u32 s12  }
.LBB2_8:
0x2a: {  	s5 =	sor.u32 s20, s9  }
0x2b: {  	s5 =	sshrl.u32 s5, $0x3  }
0x2c: {  	[sflag:s2] =	ssyncadd.s32 @p0 $0xFFFFFD00;
	s5 =	sadd.s32 s4, s5  }
0x2d: {  	[hbm4b:s5+s30] =	stream.strided.scatter [tilespmem:s30], [sflag:$0x16], $0x300, s26, s30, $0x38;
	[tilespmem:$0x1E380] =	vst v63  }
0x2e: {  	_ =	swait.ge [sflag:s2], $0x300  }
0x2f: {  	s21 =	rddreg [dreg:$0x5]  }
0x30: {  	s19 =	smov.u32 s15;
	[sflag:s2] =	ssyncset.done $0x0;
	s23 =	rddreg [dreg:$0x6]  }
0x31: {  	s12 =	simm.s32 $0x380;
	s31 =	rddreg [dreg:$0xc];
	[sflag:s2] =	ssyncadd.s32 $0xFFFFFD00  }
.LBB2_9:
0x32: {  	s1 =	sadd.s32 $0x1, s1;
	s5 =	rddreg [dreg:$0x1f]  }
0x33: {  	p0 =	sne.s32 s1, s5  }
.Ltmp1:
0x34: {  	_ = 	snop;
	(pc) =	sbr.rel @!p0 .LBB2_10-.Ltmp1, $1  }
0x35: {  	_ =	sdelay $0x3  }
.LBB2_1:
0x36: {  	[tilespmem:s12], [sflag:$0x1] =	stream.linear.gather [hbm4b:s10+s6], $0x3000, $0x38;
	[tilespmem:$0x1E380] =	vst v63  }
0x37: {  	s15 =	smov.u32 s10;
	s10 =	simm.s32 $0x3380  }
0x38: {  	[tilespmem:s10], [sflag:$0x2] =	stream.linear.gather [hbm4b:s13+s6], $0x3000, $0x38;
	[tilespmem:$0x1E380] =	vst v63  }
0x39: {  	s22 =	simm.s32 $0x6380  }
0x3a: {  	[tilespmem:s22], [sflag:$0x3] =	stream.linear.gather [hbm4b:s14+s6], $0x3000, $0x38;
	[tilespmem:$0x1E380] =	vst v63  }
0x3b: {  	s20 =	simm.s32 $0x9380  }
0x3c: {  	[tilespmem:s20], [sflag:$0x4] =	stream.linear.gather [hbm4b:s19+s6], $0x3000, $0x38;
	[tilespmem:$0x1E380] =	vst v63  }
0x3d: {  	s13 =	simm.s32 $0xC380  }
0x3e: {  	[tilespmem:s13], [sflag:$0x5] =	stream.linear.gather [hbm4b:s16+s6], $0x3000, $0x38;
	[tilespmem:$0x1E380] =	vst v63  }
0x3f: {  	s5 =	rddreg [dreg:$0x0];
	s3 =	smov.u32 s19;
	s19 =	simm.s32 $0x1  }
0x40: {  	[tilespmem:s6], [sflag:$0x15] =	stream.linear.gather [hbm4b:s5+s6], $0x1, $0x38;
	[tilespmem:$0x1E380] =	vst v63  }
0x41: {  	_ =	swait.ge [sflag:s19], $0x3000  }
0x42: {  	[sflag:s19] =	ssyncset.done $0x0  }
0x43: {  	[sflag:s19] =	ssyncadd.s32 $0xFFFFD000  }
0x44: {  	[hbm4b:s18+s6] =	stream.linear.scatter [tilespmem:s12], [sflag:$0xB], $0x3000, $0x38;
	[tilespmem:$0x1E380] =	vst v63  }
0x45: {  	s17 =	smov.u32 s14;
	s14 =	simm.s32 $0xF380  }
0x46: {  	[tilespmem:s14], [sflag:$0x6] =	stream.linear.gather [hbm4b:s21+s6], $0x3000, $0x38;
	[tilespmem:$0x1E380] =	vst v63  }
0x47: {  	s7 =	smov.u32 s21;
	s21 =	simm.s32 $0x2  }
0x48: {  	_ =	swait.ge [sflag:s21], $0x3000  }
0x49: {  	[sflag:s21] =	ssyncset.done $0x0  }
0x4a: {  	[sflag:s21] =	ssyncadd.s32 $0xFFFFD000  }
0x4b: {  	[hbm4b:s23+s6] =	stream.linear.scatter [tilespmem:s10], [sflag:$0xC], $0x3000, $0x38;
	[tilespmem:$0x1E380] =	vst v63  }
0x4c: {  	s16 =	simm.s32 $0x12380;
	s0 =	rddreg [dreg:$0x7]  }
0x4d: {  	[tilespmem:s16], [sflag:$0x7] =	stream.linear.gather [hbm4b:s0+s6], $0x3000, $0x38;
	[tilespmem:$0x1E380] =	vst v63  }
0x4e: {  	s0 =	smov.u32 s23;
	s23 =	simm.s32 $0x3  }
0x4f: {  	_ =	swait.ge [sflag:s23], $0x3000  }
0x50: {  	[sflag:s23] =	ssyncset.done $0x0  }
0x51: {  	s8 =	rddreg [dreg:$0x8];
	[sflag:s23] =	ssyncadd.s32 $0xFFFFD000  }
0x52: {  	[hbm4b:s8+s6] =	stream.linear.scatter [tilespmem:s22], [sflag:$0xD], $0x3000, $0x38;
	[tilespmem:$0x1E380] =	vst v63  }
0x53: {  	s18 =	simm.s32 $0x15380;
	s9 =	rddreg [dreg:$0x9]  }
0x54: {  	[tilespmem:s18], [sflag:$0x8] =	stream.linear.gather [hbm4b:s9+s6], $0x3000, $0x38;
	[tilespmem:$0x1E380] =	vst v63  }
0x55: {  	_ =	swait.ge [sflag:s25], $0x3000  }
0x56: {  	[sflag:s25] =	ssyncset.done $0x0  }
0x57: {  	s24 =	rddreg [dreg:$0xa];
	[sflag:s25] =	ssyncadd.s32 $0xFFFFD000  }
0x58: {  	[hbm4b:s24+s6] =	stream.linear.scatter [tilespmem:s20], [sflag:$0xE], $0x3000, $0x38;
	[tilespmem:$0x1E380] =	vst v63  }
0x59: {  	s8 =	rddreg [dreg:$0xf];
	s24 =	simm.s32 $0x18380  }
0x5a: {  	[tilespmem:s24], [sflag:$0x9] =	stream.linear.gather [hbm4b:s8+s6], $0x3000, $0x38;
	[tilespmem:$0x1E380] =	vst v63  }
0x5b: {  	_ =	swait.ge [sflag:s28], $0x3000  }
0x5c: {  	[sflag:s28] =	ssyncset.done $0x0  }
0x5d: {  	s9 =	rddreg [dreg:$0xb];
	[sflag:s28] =	ssyncadd.s32 $0xFFFFD000  }
0x5e: {  	[hbm4b:s9+s6] =	stream.linear.scatter [tilespmem:s13], [sflag:$0xF], $0x3000, $0x38;
	[tilespmem:$0x1E380] =	vst v63  }
0x5f: {  	s8 =	rddreg [dreg:$0x11];
	s9 =	simm.s32 $0x1B380  }
0x60: {  	[tilespmem:s9], [sflag:$0xA] =	stream.linear.gather [hbm4b:s8+s6], $0x3000, $0x38;
	[tilespmem:$0x1E380] =	vst v63  }
0x61: {  	_ =	swait.ge [sflag:s29], $0x3000  }
0x62: {  	[sflag:s29] =	ssyncset.done $0x0  }
0x63: {  	[sflag:s29] =	ssyncadd.s32 $0xFFFFD000  }
0x64: {  	[hbm4b:s31+s6] =	stream.linear.scatter [tilespmem:s14], [sflag:$0x10], $0x3000, $0x38;
	[tilespmem:$0x1E380] =	vst v63  }
0x65: {  	s8 =	smov.u32 s31;
	s31 =	simm.s32 $0xB  }
0x66: {  	_ =	swait.ge [sflag:s31], $0x3000  }
0x67: {  	[sflag:s31] =	ssyncset.done $0x0  }
0x68: {  	s5 =	rddreg [dreg:$0x13];
	[sflag:s31] =	ssyncadd.s32 $0xFFFFD000  }
0x69: {  	[tilespmem:s12], [sflag:$0x1] =	stream.linear.gather [hbm4b:s5+s6], $0x3000, $0x38;
	[tilespmem:$0x1E380] =	vst v63  }
0x6a: {  	s5 =	simm.s32 $0x7  }
0x6b: {  	_ =	swait.ge [sflag:s5], $0x3000  }
0x6c: {  	[sflag:s5] =	ssyncset.done $0x0  }
0x6d: {  	[sflag:s5] =	ssyncadd.s32 $0xFFFFD000;
	s5 =	rddreg [dreg:$0xd]  }
0x6e: {  	[hbm4b:s5+s6] =	stream.linear.scatter [tilespmem:s16], [sflag:$0x11], $0x3000, $0x38;
	[tilespmem:$0x1E380] =	vst v63  }
0x6f: {  	s16 =	simm.s32 $0xC  }
0x70: {  	_ =	swait.ge [sflag:s16], $0x3000  }
0x71: {  	[sflag:s16] =	ssyncset.done $0x0  }
0x72: {  	s5 =	rddreg [dreg:$0x15];
	[sflag:s16] =	ssyncadd.s32 $0xFFFFD000  }
0x73: {  	[tilespmem:s10], [sflag:$0x2] =	stream.linear.gather [hbm4b:s5+s6], $0x3000, $0x38;
	[tilespmem:$0x1E380] =	vst v63  }
0x74: {  	s5 =	simm.s32 $0x8  }
0x75: {  	_ =	swait.ge [sflag:s5], $0x3000  }
0x76: {  	[sflag:s5] =	ssyncset.done $0x0  }
0x77: {  	[sflag:s5] =	ssyncadd.s32 $0xFFFFD000;
	s5 =	rddreg [dreg:$0xe]  }
0x78: {  	[hbm4b:s5+s6] =	stream.linear.scatter [tilespmem:s18], [sflag:$0x12], $0x3000, $0x38;
	[tilespmem:$0x1E380] =	vst v63  }
0x79: {  	s18 =	simm.s32 $0xD  }
0x7a: {  	_ =	swait.ge [sflag:s18], $0x3000  }
0x7b: {  	[sflag:s18] =	ssyncset.done $0x0  }
0x7c: {  	s5 =	rddreg [dreg:$0x17];
	[sflag:s18] =	ssyncadd.s32 $0xFFFFD000  }
0x7d: {  	[tilespmem:s22], [sflag:$0x3] =	stream.linear.gather [hbm4b:s5+s6], $0x3000, $0x38;
	[tilespmem:$0x1E380] =	vst v63  }
0x7e: {  	s5 =	simm.s32 $0x9  }
0x7f: {  	_ =	swait.ge [sflag:s5], $0x3000  }
0x80: {  	[sflag:s5] =	ssyncset.done $0x0  }
0x81: {  	[sflag:s5] =	ssyncadd.s32 $0xFFFFD000;
	s5 =	rddreg [dreg:$0x10]  }
0x82: {  	[hbm4b:s5+s6] =	stream.linear.scatter [tilespmem:s24], [sflag:$0x13], $0x3000, $0x38;
	[tilespmem:$0x1E380] =	vst v63  }
0x83: {  	s24 =	simm.s32 $0xE  }
0x84: {  	_ =	swait.ge [sflag:s24], $0x3000  }
0x85: {  	[sflag:s24] =	ssyncset.done $0x0  }
0x86: {  	s5 =	rddreg [dreg:$0x19];
	[sflag:s24] =	ssyncadd.s32 $0xFFFFD000  }
0x87: {  	[tilespmem:s20], [sflag:$0x4] =	stream.linear.gather [hbm4b:s5+s6], $0x3000, $0x38;
	[tilespmem:$0x1E380] =	vst v63  }
0x88: {  	s5 =	simm.s32 $0xA  }
0x89: {  	_ =	swait.ge [sflag:s5], $0x3000  }
0x8a: {  	[sflag:s5] =	ssyncset.done $0x0  }
0x8b: {  	[sflag:s5] =	ssyncadd.s32 $0xFFFFD000;
	s5 =	rddreg [dreg:$0x12]  }
0x8c: {  	[hbm4b:s5+s6] =	stream.linear.scatter [tilespmem:s9], [sflag:$0x14], $0x3000, $0x38;
	[tilespmem:$0x1E380] =	vst v63  }
0x8d: {  	s9 =	simm.s32 $0xF  }
0x8e: {  	_ =	swait.ge [sflag:s9], $0x3000  }
0x8f: {  	[sflag:s9] =	ssyncset.done $0x0  }
0x90: {  	s5 =	rddreg [dreg:$0x1b];
	[sflag:s9] =	ssyncadd.s32 $0xFFFFD000  }
0x91: {  	[tilespmem:s13], [sflag:$0x5] =	stream.linear.gather [hbm4b:s5+s6], $0x3000, $0x38;
	[tilespmem:$0x1E380] =	vst v63  }
0x92: {  	_ =	swait.ge [sflag:s19], $0x3000  }
0x93: {  	[sflag:s19] =	ssyncset.done $0x0  }
0x94: {  	[sflag:s19] =	ssyncadd.s32 $0xFFFFD000;
	s19 =	smov.u32 s3;
	s3 =	rddreg [dreg:$0x14]  }
0x95: {  	[hbm4b:s3+s6] =	stream.linear.scatter [tilespmem:s12], [sflag:$0xB], $0x3000, $0x38;
	[tilespmem:$0x1E380] =	vst v63  }
0x96: {  	s3 =	simm.s32 $0x10  }
0x97: {  	_ =	swait.ge [sflag:s3], $0x3000  }
0x98: {  	[sflag:s3] =	ssyncset.done $0x0  }
0x99: {  	s5 =	rddreg [dreg:$0x1d];
	[sflag:s3] =	ssyncadd.s32 $0xFFFFD000  }
0x9a: {  	[tilespmem:s14], [sflag:$0x6] =	stream.linear.gather [hbm4b:s5+s6], $0x3000, $0x38;
	[tilespmem:$0x1E380] =	vst v63  }
0x9b: {  	_ =	swait.ge [sflag:s21], $0x3000  }
0x9c: {  	[sflag:s21] =	ssyncset.done $0x0  }
0x9d: {  	[sflag:s21] =	ssyncadd.s32 $0xFFFFD000;
	s21 =	smov.u32 s7;
	s7 =	rddreg [dreg:$0x16]  }
0x9e: {  	[hbm4b:s7+s6] =	stream.linear.scatter [tilespmem:s10], [sflag:$0xC], $0x3000, $0x38;
	[tilespmem:$0x1E380] =	vst v63  }
0x9f: {  	_ =	swait.ge [sflag:s23], $0x3000  }
0xa0: {  	[sflag:s23] =	ssyncset.done $0x0  }
0xa1: {  	s10 =	smov.u32 s15;
	s15 =	rddreg [dreg:$0x18];
	[sflag:s23] =	ssyncadd.s32 $0xFFFFD000  }
0xa2: {  	[hbm4b:s15+s6] =	stream.linear.scatter [tilespmem:s22], [sflag:$0xD], $0x3000, $0x38;
	[tilespmem:$0x1E380] =	vst v63  }
0xa3: {  	_ =	swait.ge [sflag:s25], $0x3000  }
0xa4: {  	[sflag:s25] =	ssyncset.done $0x0  }
0xa5: {  	s22 =	rddreg [dreg:$0x1a];
	[sflag:s25] =	ssyncadd.s32 $0xFFFFD000  }
0xa6: {  	[hbm4b:s22+s6] =	stream.linear.scatter [tilespmem:s20], [sflag:$0xE], $0x3000, $0x38;
	[tilespmem:$0x1E380] =	vst v63  }
0xa7: {  	_ =	swait.ge [sflag:s28], $0x3000  }
0xa8: {  	[sflag:s28] =	ssyncset.done $0x0  }
0xa9: {  	s23 =	smov.u32 s0;
	s0 =	rddreg [dreg:$0x1c];
	[sflag:s28] =	ssyncadd.s32 $0xFFFFD000  }
0xaa: {  	[hbm4b:s0+s6] =	stream.linear.scatter [tilespmem:s13], [sflag:$0xF], $0x3000, $0x38;
	[tilespmem:$0x1E380] =	vst v63  }
0xab: {  	s13 =	sld [smem:$0x7FD];
	_ =	swait.ge [sflag:s29], $0x3000  }
0xac: {  	[sflag:s29] =	ssyncset.done $0x0  }
0xad: {  	s15 =	simm.s32 $0x11;
	s7 =	rddreg [dreg:$0x1e];
	[sflag:s29] =	ssyncadd.s32 $0xFFFFD000  }
0xae: {  	[hbm4b:s7+s6] =	stream.linear.scatter [tilespmem:s14], [sflag:$0x10], $0x3000, $0x38;
	[tilespmem:$0x1E380] =	vst v63  }
0xaf: {  	_ =	swait.ge [sflag:s15], $0x3000  }
0xb0: {  	[sflag:s15] =	ssyncset.done $0x0  }
0xb1: {  	s14 =	smov.u32 s17;
	s17 =	simm.s32 $0x12;
	[sflag:s15] =	ssyncadd.s32 $0xFFFFD000  }
0xb2: {  	_ =	swait.ge [sflag:s17], $0x3000  }
0xb3: {  	[sflag:s17] =	ssyncset.done $0x0  }
0xb4: {  	s20 =	simm.s32 $0x13;
	[sflag:s17] =	ssyncadd.s32 $0xFFFFD000  }
0xb5: {  	_ =	swait.ge [sflag:s20], $0x3000  }
0xb6: {  	[sflag:s20] =	ssyncset.done $0x0  }
0xb7: {  	s22 =	simm.s32 $0x14;
	[sflag:s20] =	ssyncadd.s32 $0xFFFFD000  }
0xb8: {  	_ =	swait.ge [sflag:s22], $0x3000  }
0xb9: {  	[sflag:s22] =	ssyncset.done $0x0  }
0xba: {  	[sflag:s22] =	ssyncadd.s32 $0xFFFFD000  }
0xbb: {  	_ =	swait.ge [sflag:s31], $0x3000  }
0xbc: {  	[sflag:s31] =	ssyncset.done $0x0  }
0xbd: {  	[sflag:s31] =	ssyncadd.s32 $0xFFFFD000  }
0xbe: {  	_ =	swait.ge [sflag:s16], $0x3000  }
0xbf: {  	[sflag:s16] =	ssyncset.done $0x0  }
0xc0: {  	[sflag:s16] =	ssyncadd.s32 $0xFFFFD000  }
0xc1: {  	s16 =	sld [smem:$0x7FB];
	_ =	swait.ge [sflag:s18], $0x3000  }
0xc2: {  	[sflag:s18] =	ssyncset.done $0x0  }
0xc3: {  	[sflag:s18] =	ssyncadd.s32 $0xFFFFD000  }
0xc4: {  	s18 =	sld [smem:$0x7FC];
	_ =	swait.ge [sflag:s24], $0x3000  }
0xc5: {  	[sflag:s24] =	ssyncset.done $0x0  }
0xc6: {  	[sflag:s24] =	ssyncadd.s32 $0xFFFFD000  }
0xc7: {  	_ =	swait.ge [sflag:s9], $0x3000  }
0xc8: {  	[sflag:s9] =	ssyncset.done $0x0  }
0xc9: {  	[sflag:s9] =	ssyncadd.s32 $0xFFFFD000  }
0xca: {  	_ =	swait.ge [sflag:s3], $0x3000  }
0xcb: {  	[sflag:s3] =	ssyncset.done $0x0  }
0xcc: {  	s24 =	simm.s32 $0x15;
	[sflag:s3] =	ssyncadd.s32 $0xFFFFD000  }
0xcd: {  	_ =	swait.ge [sflag:s24], $0x1  }
0xce: {  	[sflag:s24] =	ssyncset.done $0x0  }
0xcf: {  	[sflag:s24] =	ssyncadd.s32 $0xFFFFFFFF  }
0xd0: {  	v0 =	vld [tilespmem:$0x0];
	_ =	sdelay $0x4  }
0xd1: {  	(v2sf) =	vpush v0, $0x0;
	_ =	sdelay $0xe  }
0xd2: {  	s5 =	spop (v2sf)  }
0xd3: {  	p0 =	sgt.s32 s5, $0x1  }
0xd4: {  	s5 =	simm.s32 @!p0 $0x1  }
0xd5: {  	s5 =	smin.u32 s5, $0x2000  }
0xd6: {  	p0 =	sge.u32 s5, s11  }
.Ltmp2:
0xd7: {  	_ = 	snop;
	(pc) =	sbr.rel @p0 .LBB2_9-.Ltmp2, $2  }
0xd8: {  	_ =	sdelay $0x2  }
0xd9: {  	s31 =	smov.u32 s8  }
0xda: {  	s9 =	sadd.s32 $0xFFFFFFFF, s5  }
0xdb: {  	s22 =	sshrl.u32 s9, $0x3  }
0xdc: {  	s12 =	smov.u32 s10;
	s9 =	sshll.u32 s9, $0x7;
	s10 =	smul.u32 $0x1800, s22  }
0xdd: {  	s9 =	sand.u32 $0x380, s9  }
0xde: {  	s9 =	sor.u32 s9, s10  }
0xdf: {  	s23 =	rddreg [dreg:$0x1];
	s9 =	sshrl.u32 s9, $0x3  }
0xe0: {  	s9 =	sadd.s32 s23, s9  }
0xe1: {  	[tilespmem:s30], [sflag:$0x16] =	stream.strided.gather [hbm4b:s9+s30], $0x300, s26, s30, $0x38;
	[tilespmem:$0x1E380] =	vst v63  }
0xe2: {  	_ =	swait.ge [sflag:s2], $0x300  }
0xe3: {  	s24 =	rddreg [dreg:$0x4]  }
0xe4: {  	s31 =	smax.u32 s5, s24  }
0xe5: {  	s22 =	sadd.s32 $0x1, s31  }
0xe6: {  	p1 =	slt.u32 s22, s11  }
.Ltmp3:
0xe7: {  	_ = 	snop;
	(pc) =	sbr.rel @!p1 .LBB2_3-.Ltmp3, $4  }
0xe8: {  	_ = 	snop  }
0xe9: {  	s15 =	smov.u32 s19;
	s5 =	sshrl.u32 s31, $0x3  }
0xea: {  	[sflag:s2] =	ssyncset.done $0x0;
	s10 =	sshll.u32 s31, $0x7;
	s9 =	smul.u32 $0x1800, s5  }
0xeb: {  	p0 =	por $0x0, $0x0;
	[sflag:s2] =	ssyncadd.s32 $0xFFFFFD00;
	s20 =	sand.u32 $0x380, s10  }
0xec: {  	s5 =	sadd.s32 $0x1, s22  }
0xed: {  	s9 =	sor.u32 s20, s9;
	p1 =	slt.u32 s5, s11  }
.Ltmp4:
0xee: {  	s9 =	sshrl.u32 s9, $0x3;
	(pc) =	sbr.rel @!p1 .LBB2_5-.Ltmp4, $4  }
0xef: {  	s31 =	sshrl.u32 s22, $0x3;
	s9 =	sadd.s32 s4, s9  }
0xf0: {  	[hbm4b:s9+s30] =	stream.strided.scatter [tilespmem:s30], [sflag:$0x16], $0x300, s26, s30, $0x38;
	[tilespmem:$0x1E380] =	vst v63  }
0xf1: {  	s10 =	sadd.s32 $0x80, s10;
	s9 =	smul.u32 $0x1800, s31;
	_ =	swait.ge [sflag:s2], $0x300  }
0xf2: {  	p0 =	por $0x1, $0x1;
	s20 =	sand.u32 $0x380, s10;
	[sflag:s2] =	ssyncset.done $0x0  }
.LBB2_6:
0xf3: {  	s9 =	sor.u32 s20, s9;
	s20 =	smov.u32 s5;
	s5 =	sadd.s32 $0x1, s5  }
0xf4: {  	[sflag:s2] =	ssyncadd.s32 $0xFFFFFD00;
	p1 =	slt.u32 s5, s11  }
.Ltmp5:
0xf5: {  	s9 =	sshrl.u32 s9, $0x3;
	(pc) =	sbr.rel @p1 .LBB2_6-.Ltmp5, $4  }
0xf6: {  	s20 =	sshrl.u32 s20, $0x3;
	s9 =	sadd.s32 s4, s9  }
0xf7: {  	[hbm4b:s9+s30] =	stream.strided.scatter [tilespmem:s30], [sflag:$0x16], $0x300, s26, s30, $0x38;
	[tilespmem:$0x1E380] =	vst v63  }
0xf8: {  	s10 =	sadd.s32 $0x80, s10;
	s9 =	smul.u32 $0x1800, s20;
	_ =	swait.ge [sflag:s2], $0x300  }
0xf9: {  	s20 =	sand.u32 $0x380, s10;
	[sflag:s2] =	ssyncset.done $0x0  }
.Ltmp6:
0xfa: {  	(pc) =	sbr.rel .LBB2_8-.Ltmp6, $2  }
0xfb: {  	_ =	sdelay $0x2  }
0xfc: {  	s10 =	smov.u32 s12  }
.LBB2_5:
.Ltmp7:
0xfd: {  	(pc) =	sbr.rel .LBB2_8-.Ltmp7, $2  }
0xfe: {  	_ =	sdelay $0x2  }
0xff: {  	s10 =	smov.u32 s12  }
.LBB2_10:
0x100: {  	_ =	sfence.sel $0x180000  }
0x101: {  	[bflag:$0x0] =	sbarrier.arrive $0xFFFF  }
0x102: {  	_ =	strace $0x90000047  }
0x103: {  	s0 =	stileid.u32;
	[bflag:$0x2] =	sbarrier.arrive $0xFFFF  }
0x104: {  	p0 =	sne.s32 s0, $0x0;
	s0 =	rddreg [dreg:$0x3]  }
0x105: {  	s0 =	sadd.s32 @!p0 $0x100000, s0  }
0x106: {  	[sflag:s0] =	ssyncadd.tile.s32 @!p0 $0x1;
	_ =	shalt  }
.Lfunc_end2:
_tile_overlayer_lowered:
.L_overlay_start_2:
0x107: {  	(tag) =	ssettag $0x2  }
0x108: {  	s0 =	rddreg [dreg:$0x0];
	s2 =	stileid.u32  }
0x109: {  	s1 =	rddreg [dreg:$0x1];
	p0 =	sne.s32 s2, $0x0  }
0x10a: {  	s3 =	rddreg [dreg:$0x2];
	[bflag:$0x3] =	sbarrier.arrive $0xFFFF;
	s2 =	simm.s32 @!p0 $0x1C16  }
0x10b: {  	[timem:s3], [sflag:s2] =	dma.local @!p0 [hbm:s0], s1  }
0x10c: {  	s0 =	simm.s32 @!p0 $0x16  }
0x10d: {  	_ =	swait.ge @!p0 [sflag:s0], s1  }
0x10e: {  	s1 =	ssub.s32 @!p0 $0x0, s1;
	[sflag:s0] =	ssyncset.done @!p0 $0x0  }
0x10f: {  	[sflag:s0] =	ssyncadd.s32 @!p0 s1  }
0x110: {  	[bflag:$0x3] =	sbarrier.arrive $0xFFFF  }
0x111: {  	_ =	shalt  }

</sc_bundles>
